<compile_context>
chip_gen: v7x
topology: tpu7x:2x2x1
jax: 0.10.2.dev20260603
libtpu: 0.0.44.dev20260713+nightly
codegen_flags: <defaults>
</compile_context>

<pallas_src>
import functools

import jax
import jax.numpy as jnp
from jax import lax
from jax.experimental import pallas as pl
from jax.experimental.pallas import tpu as pltpu
from jax.experimental.pallas import tpu_sc as plsc

N = 4096
D = 256
KNN = 16
BR = 256
NBLK = N // BR
NCHUNK = N // 128
IMASK = 0xFFF
INF32 = 0x7FFFFFFF

NC, NS = 2, 16
NW = NC * NS
NIDX = N * KNN
BPW = NIDX // NW


def _stage0_body(real_ref, rec_ref, aar_ref, aac_ref, l1_ref):
    for src_ref, dst_ref in ((real_ref, aar_ref), (rec_ref, aac_ref)):
        A = src_ref[...]
        n2 = jnp.sum(A * A, axis=1, keepdims=True)
        h = n2.astype(jnp.bfloat16)
        l = (n2 - h.astype(jnp.float32)).astype(jnp.bfloat16)
        o = jnp.ones((N, 1), jnp.bfloat16)
        dst_ref[...] = jnp.concatenate(
            [A.astype(jnp.bfloat16), o, o, h, l], axis=1)
    dd = rec_ref[...] - real_ref[...]
    l1_ref[...] = jnp.full((1, 1, 128), jnp.sum(dd * dd), jnp.float32)


_stage0 = pl.pallas_call(
    _stage0_body,
    out_shape=[
        jax.ShapeDtypeStruct((N, D + 4), jnp.bfloat16),
        jax.ShapeDtypeStruct((N, D + 4), jnp.bfloat16),
        jax.ShapeDtypeStruct((1, 1, 128), jnp.float32),
    ],
)


def _stage1_body(aar_ref, aac_ref, flat_ref, d2r_ref, par_ref, d2c_ref):
    b = pl.program_id(0)
    nt = (((1,), (1,)), ((), ()))

    def aug_d2(aa_ref):
        sblk = aa_ref[pl.ds(b * BR, BR), :]
        Xa = jnp.concatenate(
            [-2.0 * sblk[:, 0:D], sblk[:, D + 2:D + 4], sblk[:, D:D + 2]],
            axis=1)
        return lax.dot_general(Xa, aa_ref[...], nt,
                               preferred_element_type=jnp.float32)

    d2 = aug_d2(aar_ref)
    d2c = aug_d2(aac_ref)

    for c2 in range(NCHUNK // 2):
        lo = lax.bitcast_convert_type(
            d2c[:, (2 * c2) * 128:(2 * c2 + 1) * 128], jnp.int32)
        hi = lax.bitcast_convert_type(
            d2c[:, (2 * c2 + 1) * 128:(2 * c2 + 2) * 128], jnp.int32)
        d2c_ref[c2] = (hi & jnp.int32(-65536)) | lax.shift_right_logical(
            lo, 16)

    lane = lax.broadcasted_iota(jnp.int32, (BR, 128), 1)
    m1 = jnp.full((BR, 128), 3.0e38, jnp.float32)
    m2 = m1
    for c in range(NCHUNK):
        dv = d2[:, c * 128:(c + 1) * 128]
        v = lax.bitcast_convert_type(
            (lax.bitcast_convert_type(dv, jnp.int32) & jnp.int32(~IMASK))
            | (lane + c * 128), jnp.float32)
        t = jnp.minimum(m1, v)
        v = jnp.maximum(m1, v)
        m1 = t
        m2 = jnp.minimum(m2, v)

    packed = []
    for t in range(KNN + 1):
        m = jnp.min(m1, axis=1, keepdims=True)
        if t > 0:
            packed.append(m)
        if t < KNN:
            hit = m1 == m
            m1 = jnp.where(hit, m2, m1)
            m2 = jnp.where(hit, jnp.float32(3.0e38), m2)
    pk = jnp.transpose(jnp.concatenate(packed, axis=1))
    mi = lax.bitcast_convert_type(pk, jnp.int32)
    rows = b * BR + lax.broadcasted_iota(jnp.int32, (KNN, BR), 1)
    j = mi & IMASK
    flat_ref[...] = rows * 128 + (j >> 8) * (N * 128) + (j & 127)
    par_ref[...] = (j >> 7) & 1
    d2r_ref[...] = lax.bitcast_convert_type(mi & jnp.int32(~IMASK),
                                            jnp.float32)


_stage1 = pl.pallas_call(
    _stage1_body,
    grid=(NBLK,),
    in_specs=[
        pl.BlockSpec((N, D + 4), lambda b: (0, 0)),
        pl.BlockSpec((N, D + 4), lambda b: (0, 0)),
    ],
    out_specs=[
        pl.BlockSpec((KNN, BR), lambda b: (0, b)),
        pl.BlockSpec((KNN, BR), lambda b: (0, b)),
        pl.BlockSpec((KNN, BR), lambda b: (0, b)),
        pl.BlockSpec((NCHUNK // 2, BR, 128), lambda b: (0, b, 0)),
    ],
    out_shape=[
        jax.ShapeDtypeStruct((KNN, N), jnp.int32),
        jax.ShapeDtypeStruct((KNN, N), jnp.float32),
        jax.ShapeDtypeStruct((KNN, N), jnp.int32),
        jax.ShapeDtypeStruct((NCHUNK // 2, N, 128), jnp.int32),
    ],
)


@functools.cache
def _make_sc_gather():
    @functools.partial(
        pl.kernel,
        out_type=jax.ShapeDtypeStruct((NIDX,), jnp.int32),
        mesh=plsc.VectorSubcoreMesh(core_axis_name="c", subcore_axis_name="s",
                                    num_cores=NC, num_subcores=NS),
        scratch_types=[
            pltpu.VMEM((BPW,), jnp.int32),
            pltpu.VMEM((BPW,), jnp.int32),
            pltpu.SemaphoreType.DMA,
        ],
    )
    def sc_gather(table_hbm, idx_hbm, out_hbm, idx_v, vals_v, sem):
        wid = lax.axis_index("s") * NC + lax.axis_index("c")
        base = wid * BPW
        pltpu.sync_copy(idx_hbm.at[pl.ds(base, BPW)], idx_v)
        pltpu.async_copy(table_hbm.at[idx_v], vals_v, sem).wait()
        pltpu.sync_copy(vals_v, out_hbm.at[pl.ds(base, BPW)])

    return sc_gather


def _sc_gather(table, idx):
    return _make_sc_gather()(table, idx)


def _stage3_body(d2r_ref, w_ref, par_ref, l1_ref, out_ref):
    w = w_ref[...]
    bits = jnp.where(par_ref[...] != 0, w & jnp.int32(-65536),
                     lax.shift_left(w, 16))
    cd = jnp.sqrt(jnp.maximum(
        lax.bitcast_convert_type(bits, jnp.float32), 0.0))
    rd = jnp.sqrt(jnp.maximum(d2r_ref[...], 0.0))
    rn = rd / (jnp.max(rd, axis=0, keepdims=True) + 1e-8)
    cn = cd / (jnp.max(cd, axis=0, keepdims=True) + 1e-8)
    l2 = jnp.sum(jnp.abs(rn - cn)) / float(N * KNN)
    l1 = l1_ref[0, 0, 0] / float(N * D)
    out_ref[...] = jnp.full((1, 1), l1 + l2, jnp.float32)


_stage3 = pl.pallas_call(
    _stage3_body,
    out_shape=jax.ShapeDtypeStruct((1, 1), jnp.float32),
)


def kernel(U_recover, U_real):
    aar, aac, l1p = _stage0(U_real, U_recover)
    flat, d2r, par, d2c_full = _stage1(aar, aac)
    gathered = _sc_gather(d2c_full.reshape(N * N // 2), flat.reshape(NIDX))
    out = _stage3(d2r, gathered.reshape(KNN, N), par, l1p)
    return out[0, 0]

# --- scband reference (transcript-rebuilt; emitter-appended) ---
"""Pipeline reference for scband-manifold-ctrl-inv-loss-29257317220643 (READ-ONLY COPY).

The authoritative reference and input builder live on the scoring server;
editing this copy changes nothing except your own understanding.
"""

import jax, jax.numpy as jnp
import numpy as np

K = 16

def setup_inputs(seed: int = 0) -> dict:
    key = jax.random.key(seed)
    k1, k2 = jax.random.split(key)
    U_recover = jax.random.normal(k1, (4096, 256), dtype=jnp.float32)
    U_real = jax.random.normal(k2, (4096, 256), dtype=jnp.float32)
    return {"U_recover": U_recover, "U_real": U_real}

def _pairwise_dist(a, b):
    # Euclidean cdist via matmul formulation (p=2)
    a2 = jnp.sum(a * a, axis=-1, keepdims=True)
    b2 = jnp.sum(b * b, axis=-1, keepdims=True)
    d2 = a2 + jnp.swapaxes(b2, -1, -2) - 2.0 * (a @ jnp.swapaxes(b, -1, -2))
    return jnp.sqrt(jnp.maximum(d2, 0.0))

def _compute_knn(X, k):
    # indices are non-differentiable in the torch original; stop_gradient is safe
    Xs = jax.lax.stop_gradient(X)
    dist_matrix = _pairwise_dist(Xs, Xs)
    # topk smallest -> top_k of negated distances
    _, indices = jax.lax.top_k(-dist_matrix, k + 1)
    return indices[:, 1:]

def reference(U_recover, U_real):
    # loss1 = MSE
    loss1 = jnp.mean((U_recover - U_real) ** 2)
    n = U_real.shape[0]
    neighbor_indices = _compute_knn(U_real, K)
    neighbor_indices = jnp.clip(neighbor_indices, 0, n - 1)
    # gather neighbors: (n, k, d)
    U_real_neighbors = U_real[neighbor_indices]
    U_recover_neighbors = U_recover[neighbor_indices]
    # cdist(U_real.unsqueeze(1), neighbors).squeeze(1) -> (n, k)
    U_real_dist = jnp.sqrt(jnp.maximum(jnp.sum((U_real[:, None, :] - U_real_neighbors) ** 2, axis=-1), 0.0))
    U_recover_dist = jnp.sqrt(jnp.maximum(jnp.sum((U_recover[:, None, :] - U_recover_neighbors) ** 2, axis=-1), 0.0))
    U_real_dist_max = jnp.max(U_real_dist, axis=1, keepdims=True) + 1e-08
    U_real_dist = U_real_dist / U_real_dist_max
    U_recover_dist_max = jnp.max(U_recover_dist, axis=1, keepdims=True) + 1e-08
    U_recover_dist = U_recover_dist / U_recover_dist_max
    loss2 = jnp.mean(jnp.abs(U_real_dist - U_recover_dist))
    return loss1 + loss2

if __name__ == "__main__":
    import jax
    _d = setup_inputs()
    print(jax.jit(kernel)(*tuple(_d.values())))

</pallas_src>

<mosaic_0001>
#map = affine_map<(d0, d1) -> (0)>
module attributes {stable_mosaic.version = 14 : i64} {
  func.func @sc_gather(%arg0: i32, %arg1: i32, %arg2: memref<8388608xi32, #tpu.memory_space<hbm>>, %arg3: memref<65536xi32, #tpu.memory_space<hbm>>, %arg4: memref<65536xi32, #tpu.memory_space<hbm>>, %arg5: memref<2048xi32, #tpu.memory_space<vmem>>, %arg6: memref<2048xi32, #tpu.memory_space<vmem>>, %arg7: memref<!tpu.dma_semaphore, #tpu.memory_space<semaphore_mem>>) attributes {dimension_semantics = [#tpu.dimension_semantics<core_parallel>, #tpu.dimension_semantics<subcore_parallel>], iteration_bounds = array<i64: 2, 16>, scalar_prefetch = 0 : i64, scratch_operands = 3 : i64, tpu.core_type = #tpu.core_type<sc_vector_subcore>, window_params = [{transform_indices = #map}, {transform_indices = #map}, {transform_indices = #map}]} {
    %mul3A = arith.constant 2 : i32
    %mul3A_0 = arith.muli %arg1, %mul3A : i32
    %add3A = arith.addi %mul3A_0, %arg0 : i32
    %mul3A_1 = arith.constant 2048 : i32
    %mul3A_2 = arith.muli %add3A, %mul3A_1 : i32
    "tpu.region"() ({
      %run_scoped3A = tpu.sem_alloc : memref<!tpu.dma_semaphore, #tpu.memory_space<semaphore_mem>>
      %dma_start3A_5 = tpu.memref_slice %arg3[%mul3A_2] : memref<65536xi32, #tpu.memory_space<hbm>> -> memref<2048xi32, #tpu.memory_space<hbm>>
      %dma_start3A_6 = tpu.memref_slice %arg3[%mul3A_2] : memref<65536xi32, #tpu.memory_space<hbm>> -> memref<2048xi32, #tpu.memory_space<hbm>>
      tpu.enqueue_dma source(%dma_start3A_6 : memref<2048xi32, #tpu.memory_space<hbm>>) target(%arg5 : memref<2048xi32, #tpu.memory_space<vmem>>) target_semaphore(%run_scoped3A : memref<!tpu.dma_semaphore, #tpu.memory_space<semaphore_mem>>)
      %dma_wait3A_7 = tpu.memref_slice %arg3[%mul3A_2] : memref<65536xi32, #tpu.memory_space<hbm>> -> memref<2048xi32, #tpu.memory_space<hbm>>
      %dma_wait3A_8 = tpu.memref_slice %arg3[%mul3A_2] : memref<65536xi32, #tpu.memory_space<hbm>> -> memref<2048xi32, #tpu.memory_space<hbm>>
      tpu.wait_dma2 semaphore(%run_scoped3A : memref<!tpu.dma_semaphore, #tpu.memory_space<semaphore_mem>>) src(%dma_wait3A_8 : memref<2048xi32, #tpu.memory_space<hbm>>) dst(%arg5 : memref<2048xi32, #tpu.memory_space<vmem>>)
      tpu.yield
    }) : () -> ()
    %dma_start3A = arith.constant 0 : i32
    %dma_start3A_3 = tpu.memref_slice %arg2[%dma_start3A] : memref<8388608xi32, #tpu.memory_space<hbm>> -> memref<8388608xi32, #tpu.memory_space<hbm>>
    tpu.enqueue_indirect_dma source(%dma_start3A_3 : memref<8388608xi32, #tpu.memory_space<hbm>>) target(%arg6 : memref<2048xi32, #tpu.memory_space<vmem>>) offsets(%arg5 : memref<2048xi32, #tpu.memory_space<vmem>>) semaphore(%arg7 : memref<!tpu.dma_semaphore, #tpu.memory_space<semaphore_mem>>)
    %dma_wait3A = arith.constant 0 : i32
    %dma_wait3A_4 = tpu.memref_slice %arg2[%dma_wait3A] : memref<8388608xi32, #tpu.memory_space<hbm>> -> memref<8388608xi32, #tpu.memory_space<hbm>>
    tpu.wait_indirect_dma semaphore(%arg7 : memref<!tpu.dma_semaphore, #tpu.memory_space<semaphore_mem>>) src(%dma_wait3A_4 : memref<8388608xi32, #tpu.memory_space<hbm>>) dst(%arg6 : memref<2048xi32, #tpu.memory_space<vmem>>)
    "tpu.region"() ({
      %run_scoped3A = tpu.sem_alloc : memref<!tpu.dma_semaphore, #tpu.memory_space<semaphore_mem>>
      %dma_start3A_5 = tpu.memref_slice %arg4[%mul3A_2] : memref<65536xi32, #tpu.memory_space<hbm>> -> memref<2048xi32, #tpu.memory_space<hbm>>
      %dma_start3A_6 = tpu.memref_slice %arg4[%mul3A_2] : memref<65536xi32, #tpu.memory_space<hbm>> -> memref<2048xi32, #tpu.memory_space<hbm>>
      tpu.enqueue_dma source(%arg6 : memref<2048xi32, #tpu.memory_space<vmem>>) target(%dma_start3A_6 : memref<2048xi32, #tpu.memory_space<hbm>>) target_semaphore(%run_scoped3A : memref<!tpu.dma_semaphore, #tpu.memory_space<semaphore_mem>>)
      %dma_wait3A_7 = tpu.memref_slice %arg4[%mul3A_2] : memref<65536xi32, #tpu.memory_space<hbm>> -> memref<2048xi32, #tpu.memory_space<hbm>>
      %dma_wait3A_8 = tpu.memref_slice %arg4[%mul3A_2] : memref<65536xi32, #tpu.memory_space<hbm>> -> memref<2048xi32, #tpu.memory_space<hbm>>
      tpu.wait_dma2 semaphore(%run_scoped3A : memref<!tpu.dma_semaphore, #tpu.memory_space<semaphore_mem>>) src(%arg6 : memref<2048xi32, #tpu.memory_space<vmem>>) dst(%dma_wait3A_8 : memref<2048xi32, #tpu.memory_space<hbm>>)
      tpu.yield
    }) : () -> ()
    return
  }
}

module attributes {stable_mosaic.version = 14 : i64} {
  func.func @_stage1_body(%arg0: i32, %arg1: memref<4096x260xbf16, #tpu.memory_space<vmem>>, %arg2: memref<4096x260xbf16, #tpu.memory_space<vmem>>, %arg3: memref<16x256xi32, #tpu.memory_space<vmem>>, %arg4: memref<16x256xf32, #tpu.memory_space<vmem>>, %arg5: memref<16x256xi32, #tpu.memory_space<vmem>>, %arg6: memref<16x256x128xi32, #tpu.memory_space<vmem>>) attributes {dimension_semantics = [#tpu.dimension_semantics<arbitrary>], iteration_bounds = array<i64: 16>, scalar_prefetch = 0 : i64, scratch_operands = 0 : i64, tpu.core_type = #tpu.core_type<tc>, window_params = [{pipeline_mode = #tpu.pipeline_mode<synchronous>, transform_indices = @transform_0, window_bounds = array<i64: 4096, 260>}, {pipeline_mode = #tpu.pipeline_mode<synchronous>, transform_indices = @transform_1, window_bounds = array<i64: 4096, 260>}, {transform_indices = @transform_2, window_bounds = array<i64: 16, 256>}, {transform_indices = @transform_3, window_bounds = array<i64: 16, 256>}, {transform_indices = @transform_4, window_bounds = array<i64: 16, 256>}, {transform_indices = @transform_5, window_bounds = array<i64: 16, 256, 128>}]} {
    %mul3A = arith.constant 256 : i32
    %mul3A_0 = arith.muli %arg0, %mul3A : i32
    %get3A = arith.index_cast %mul3A_0 : i32 to index
    %get3A_1 = arith.constant 0 : index
    %get3A_2 = vector.load %arg1[%get3A, %get3A_1] : memref<4096x260xbf16, #tpu.memory_space<vmem>>, vector<256x260xbf16>
    %slice3A = vector.extract_strided_slice %get3A_2 {offsets = [0, 0], sizes = [256, 256], strides = [1, 1]} : vector<256x260xbf16> to vector<256x256xbf16>
    %mul3A_3 = arith.constant -2.000000e+00 : bf16
    %mul3A_4 = vector.broadcast %mul3A_3 : bf16 to vector<256x256xbf16>
    %mul3A_5 = arith.mulf %mul3A_4, %slice3A : vector<256x256xbf16>
    %slice3A_6 = vector.extract_strided_slice %get3A_2 {offsets = [0, 258], sizes = [256, 2], strides = [1, 1]} : vector<256x260xbf16> to vector<256x2xbf16>
    %slice3A_7 = vector.extract_strided_slice %get3A_2 {offsets = [0, 256], sizes = [256, 2], strides = [1, 1]} : vector<256x260xbf16> to vector<256x2xbf16>
    %concatenate3A = tpu.concatenate %mul3A_5, %slice3A_6, %slice3A_7 in 1 : vector<256x256xbf16>, vector<256x2xbf16>, vector<256x2xbf16> -> vector<256x260xbf16>
    %get3A_8 = arith.constant 0 : index
    %get3A_9 = arith.constant 0 : index
    %get3A_10 = vector.load %arg1[%get3A_8, %get3A_9] : memref<4096x260xbf16, #tpu.memory_space<vmem>>, vector<4096x260xbf16>
    %dot_general3A = arith.constant dense<0.000000e+00> : vector<256x4096xf32>
    %dot_general3A_11 = tpu.matmul %concatenate3A, %get3A_10, %dot_general3A {dimension_numbers = #tpu.dot_dimension_numbers<[1], [1], [0], [0], [0, 0, 1, 0], [], []>, transpose_lhs_hint = false} : vector<256x260xbf16>, vector<4096x260xbf16>, vector<256x4096xf32> -> vector<256x4096xf32>
    %mul3A_12 = arith.constant 256 : i32
    %mul3A_13 = arith.muli %arg0, %mul3A_12 : i32
    %get3A_14 = arith.index_cast %mul3A_13 : i32 to index
    %get3A_15 = arith.constant 0 : index
    %get3A_16 = vector.load %arg2[%get3A_14, %get3A_15] : memref<4096x260xbf16, #tpu.memory_space<vmem>>, vector<256x260xbf16>
    %slice3A_17 = vector.extract_strided_slice %get3A_16 {offsets = [0, 0], sizes = [256, 256], strides = [1, 1]} : vector<256x260xbf16> to vector<256x256xbf16>
    %mul3A_18 = arith.constant -2.000000e+00 : bf16
    %mul3A_19 = vector.broadcast %mul3A_18 : bf16 to vector<256x256xbf16>
    %mul3A_20 = arith.mulf %mul3A_19, %slice3A_17 : vector<256x256xbf16>
    %slice3A_21 = vector.extract_strided_slice %get3A_16 {offsets = [0, 258], sizes = [256, 2], strides = [1, 1]} : vector<256x260xbf16> to vector<256x2xbf16>
    %slice3A_22 = vector.extract_strided_slice %get3A_16 {offsets = [0, 256], sizes = [256, 2], strides = [1, 1]} : vector<256x260xbf16> to vector<256x2xbf16>
    %concatenate3A_23 = tpu.concatenate %mul3A_20, %slice3A_21, %slice3A_22 in 1 : vector<256x256xbf16>, vector<256x2xbf16>, vector<256x2xbf16> -> vector<256x260xbf16>
    %get3A_24 = arith.constant 0 : index
    %get3A_25 = arith.constant 0 : index
    %get3A_26 = vector.load %arg2[%get3A_24, %get3A_25] : memref<4096x260xbf16, #tpu.memory_space<vmem>>, vector<4096x260xbf16>
    %dot_general3A_27 = arith.constant dense<0.000000e+00> : vector<256x4096xf32>
    %dot_general3A_28 = tpu.matmul %concatenate3A_23, %get3A_26, %dot_general3A_27 {dimension_numbers = #tpu.dot_dimension_numbers<[1], [1], [0], [0], [0, 0, 1, 0], [], []>, transpose_lhs_hint = false} : vector<256x260xbf16>, vector<4096x260xbf16>, vector<256x4096xf32> -> vector<256x4096xf32>
    %slice3A_29 = vector.extract_strided_slice %dot_general3A_28 {offsets = [0, 0], sizes = [256, 128], strides = [1, 1]} : vector<256x4096xf32> to vector<256x128xf32>
    %bitcast_convert_type3A = tpu.bitcast %slice3A_29 : vector<256x128xf32> -> vector<256x128xi32>
    %slice3A_30 = vector.extract_strided_slice %dot_general3A_28 {offsets = [0, 128], sizes = [256, 128], strides = [1, 1]} : vector<256x4096xf32> to vector<256x128xf32>
    %bitcast_convert_type3A_31 = tpu.bitcast %slice3A_30 : vector<256x128xf32> -> vector<256x128xi32>
    %and3A = arith.constant -65536 : i32
    %and3A_32 = vector.broadcast %and3A : i32 to vector<256x128xi32>
    %and3A_33 = arith.andi %bitcast_convert_type3A_31, %and3A_32 : vector<256x128xi32>
    %shift_right_logical3A = arith.constant 16 : i32
    %shift_right_logical3A_34 = vector.broadcast %shift_right_logical3A : i32 to vector<256x128xi32>
    %shift_right_logical3A_35 = arith.shrui %bitcast_convert_type3A, %shift_right_logical3A_34 : vector<256x128xi32>
    %or3A = arith.ori %and3A_33, %shift_right_logical3A_35 : vector<256x128xi32>
    %swap3A = arith.constant 0 : index
    %swap3A_36 = arith.constant 0 : index
    %swap3A_37 = arith.constant 0 : index
    %swap3A_38 = vector.load %arg6[%swap3A, %swap3A_36, %swap3A_37] : memref<16x256x128xi32, #tpu.memory_space<vmem>>, vector<1x256x128xi32>
    %swap3A_39 = vector.shape_cast %swap3A_38 : vector<1x256x128xi32> to vector<256x128xi32>
    %swap3A_40 = vector.shape_cast %or3A : vector<256x128xi32> to vector<1x256x128xi32>
    tpu.vector_store %arg6[%swap3A, %swap3A_36, %swap3A_37], %swap3A_40 {strides = array<i32>} : memref<16x256x128xi32, #tpu.memory_space<vmem>>, vector<1x256x128xi32>,
    %slice3A_41 = vector.extract_strided_slice %dot_general3A_28 {offsets = [0, 256], sizes = [256, 128], strides = [1, 1]} : vector<256x4096xf32> to vector<256x128xf32>
    %bitcast_convert_type3A_42 = tpu.bitcast %slice3A_41 : vector<256x128xf32> -> vector<256x128xi32>
    %slice3A_43 = vector.extract_strided_slice %dot_general3A_28 {offsets = [0, 384], sizes = [256, 128], strides = [1, 1]} : vector<256x4096xf32> to vector<256x128xf32>
    %bitcast_convert_type3A_44 = tpu.bitcast %slice3A_43 : vector<256x128xf32> -> vector<256x128xi32>
    %and3A_45 = arith.constant -65536 : i32
    %and3A_46 = vector.broadcast %and3A_45 : i32 to vector<256x128xi32>
    %and3A_47 = arith.andi %bitcast_convert_type3A_44, %and3A_46 : vector<256x128xi32>
    %shift_right_logical3A_48 = arith.constant 16 : i32
    %shift_right_logical3A_49 = vector.broadcast %shift_right_logical3A_48 : i32 to vector<256x128xi32>
    %shift_right_logical3A_50 = arith.shrui %bitcast_convert_type3A_42, %shift_right_logical3A_49 : vector<256x128xi32>
    %or3A_51 = arith.ori %and3A_47, %shift_right_logical3A_50 : vector<256x128xi32>
    %swap3A_52 = arith.constant 1 : index
    %swap3A_53 = arith.constant 0 : index
    %swap3A_54 = arith.constant 0 : index
    %swap3A_55 = vector.load %arg6[%swap3A_52, %swap3A_53, %swap3A_54] : memref<16x256x128xi32, #tpu.memory_space<vmem>>, vector<1x256x128xi32>
    %swap3A_56 = vector.shape_cast %swap3A_55 : vector<1x256x128xi32> to vector<256x128xi32>
    %swap3A_57 = vector.shape_cast %or3A_51 : vector<256x128xi32> to vector<1x256x128xi32>
    tpu.vector_store %arg6[%swap3A_52, %swap3A_53, %swap3A_54], %swap3A_57 {strides = array<i32>} : memref<16x256x128xi32, #tpu.memory_space<vmem>>, vector<1x256x128xi32>,
    %slice3A_58 = vector.extract_strided_slice %dot_general3A_28 {offsets = [0, 512], sizes = [256, 128], strides = [1, 1]} : vector<256x4096xf32> to vector<256x128xf32>
    %bitcast_convert_type3A_59 = tpu.bitcast %slice3A_58 : vector<256x128xf32> -> vector<256x128xi32>
    %slice3A_60 = vector.extract_strided_slice %dot_general3A_28 {offsets = [0, 640], sizes = [256, 128], strides = [1, 1]} : vector<256x4096xf32> to vector<256x128xf32>
    %bitcast_convert_type3A_61 = tpu.bitcast %slice3A_60 : vector<256x128xf32> -> vector<256x128xi32>
    %and3A_62 = arith.constant -65536 : i32
    %and3A_63 = vector.broadcast %and3A_62 : i32 to vector<256x128xi32>
    %and3A_64 = arith.andi %bitcast_convert_type3A_61, %and3A_63 : vector<256x128xi32>
    %shift_right_logical3A_65 = arith.constant 16 : i32
    %shift_right_logical3A_66 = vector.broadcast %shift_right_logical3A_65 : i32 to vector<256x128xi32>
    %shift_right_logical3A_67 = arith.shrui %bitcast_convert_type3A_59, %shift_right_logical3A_66 : vector<256x128xi32>
    %or3A_68 = arith.ori %and3A_64, %shift_right_logical3A_67 : vector<256x128xi32>
    %swap3A_69 = arith.constant 2 : index
    %swap3A_70 = arith.constant 0 : index
    %swap3A_71 = arith.constant 0 : index
    %swap3A_72 = vector.load %arg6[%swap3A_69, %swap3A_70, %swap3A_71] : memref<16x256x128xi32, #tpu.memory_space<vmem>>, vector<1x256x128xi32>
    %swap3A_73 = vector.shape_cast %swap3A_72 : vector<1x256x128xi32> to vector<256x128xi32>
    %swap3A_74 = vector.shape_cast %or3A_68 : vector<256x128xi32> to vector<1x256x128xi32>
    tpu.vector_store %arg6[%swap3A_69, %swap3A_70, %swap3A_71], %swap3A_74 {strides = array<i32>} : memref<16x256x128xi32, #tpu.memory_space<vmem>>, vector<1x256x128xi32>,
    %slice3A_75 = vector.extract_strided_slice %dot_general3A_28 {offsets = [0, 768], sizes = [256, 128], strides = [1, 1]} : vector<256x4096xf32> to vector<256x128xf32>
    %bitcast_convert_type3A_76 = tpu.bitcast %slice3A_75 : vector<256x128xf32> -> vector<256x128xi32>
    %slice3A_77 = vector.extract_strided_slice %dot_general3A_28 {offsets = [0, 896], sizes = [256, 128], strides = [1, 1]} : vector<256x4096xf32> to vector<256x128xf32>
    %bitcast_convert_type3A_78 = tpu.bitcast %slice3A_77 : vector<256x128xf32> -> vector<256x128xi32>
    %and3A_79 = arith.constant -65536 : i32
    %and3A_80 = vector.broadcast %and3A_79 : i32 to vector<256x128xi32>
    %and3A_81 = arith.andi %bitcast_convert_type3A_78, %and3A_80 : vector<256x128xi32>
    %shift_right_logical3A_82 = arith.constant 16 : i32
    %shift_right_logical3A_83 = vector.broadcast %shift_right_logical3A_82 : i32 to vector<256x128xi32>
    %shift_right_logical3A_84 = arith.shrui %bitcast_convert_type3A_76, %shift_right_logical3A_83 : vector<256x128xi32>
    %or3A_85 = arith.ori %and3A_81, %shift_right_logical3A_84 : vector<256x128xi32>
    %swap3A_86 = arith.constant 3 : index
    %swap3A_87 = arith.constant 0 : index
    %swap3A_88 = arith.constant 0 : index
    %swap3A_89 = vector.load %arg6[%swap3A_86, %swap3A_87, %swap3A_88] : memref<16x256x128xi32, #tpu.memory_space<vmem>>, vector<1x256x128xi32>
    %swap3A_90 = vector.shape_cast %swap3A_89 : vector<1x256x128xi32> to vector<256x128xi32>
    %swap3A_91 = vector.shape_cast %or3A_85 : vector<256x128xi32> to vector<1x256x128xi32>
    tpu.vector_store %arg6[%swap3A_86, %swap3A_87, %swap3A_88], %swap3A_91 {strides = array<i32>} : memref<16x256x128xi32, #tpu.memory_space<vmem>>, vector<1x256x128xi32>,
    %slice3A_92 = vector.extract_strided_slice %dot_general3A_28 {offsets = [0, 1024], sizes = [256, 128], strides = [1, 1]} : vector<256x4096xf32> to vector<256x128xf32>
    %bitcast_convert_type3A_93 = tpu.bitcast %slice3A_92 : vector<256x128xf32> -> vector<256x128xi32>
    %slice3A_94 = vector.extract_strided_slice %dot_general3A_28 {offsets = [0, 1152], sizes = [256, 128], strides = [1, 1]} : vector<256x4096xf32> to vector<256x128xf32>
    %bitcast_convert_type3A_95 = tpu.bitcast %slice3A_94 : vector<256x128xf32> -> vector<256x128xi32>
    %and3A_96 = arith.constant -65536 : i32
    %and3A_97 = vector.broadcast %and3A_96 : i32 to vector<256x128xi32>
    %and3A_98 = arith.andi %bitcast_convert_type3A_95, %and3A_97 : vector<256x128xi32>
    %shift_right_logical3A_99 = arith.constant 16 : i32
    %shift_right_logical3A_100 = vector.broadcast %shift_right_logical3A_99 : i32 to vector<256x128xi32>
    %shift_right_logical3A_101 = arith.shrui %bitcast_convert_type3A_93, %shift_right_logical3A_100 : vector<256x128xi32>
    %or3A_102 = arith.ori %and3A_98, %shift_right_logical3A_101 : vector<256x128xi32>
    %swap3A_103 = arith.constant 4 : index
    %swap3A_104 = arith.constant 0 : index
    %swap3A_105 = arith.constant 0 : index
    %swap3A_106 = vector.load %arg6[%swap3A_103, %swap3A_104, %swap3A_105] : memref<16x256x128xi32, #tpu.memory_space<vmem>>, vector<1x256x128xi32>
    %swap3A_107 = vector.shape_cast %swap3A_106 : vector<1x256x128xi32> to vector<256x128xi32>
    %swap3A_108 = vector.shape_cast %or3A_102 : vector<256x128xi32> to vector<1x256x128xi32>
    tpu.vector_store %arg6[%swap3A_103, %swap3A_104, %swap3A_105], %swap3A_108 {strides = array<i32>} : memref<16x256x128xi32, #tpu.memory_space<vmem>>, vector<1x256x128xi32>,
    %slice3A_109 = vector.extract_strided_slice %dot_general3A_28 {offsets = [0, 1280], sizes = [256, 128], strides = [1, 1]} : vector<256x4096xf32> to vector<256x128xf32>
    %bitcast_convert_type3A_110 = tpu.bitcast %slice3A_109 : vector<256x128xf32> -> vector<256x128xi32>
    %slice3A_111 = vector.extract_strided_slice %dot_general3A_28 {offsets = [0, 1408], sizes = [256, 128], strides = [1, 1]} : vector<256x4096xf32> to vector<256x128xf32>
    %bitcast_convert_type3A_112 = tpu.bitcast %slice3A_111 : vector<256x128xf32> -> vector<256x128xi32>
    %and3A_113 = arith.constant -65536 : i32
    %and3A_114 = vector.broadcast %and3A_113 : i32 to vector<256x128xi32>
    %and3A_115 = arith.andi %bitcast_convert_type3A_112, %and3A_114 : vector<256x128xi32>
    %shift_right_logical3A_116 = arith.constant 16 : i32
    %shift_right_logical3A_117 = vector.broadcast %shift_right_logical3A_116 : i32 to vector<256x128xi32>
    %shift_right_logical3A_118 = arith.shrui %bitcast_convert_type3A_110, %shift_right_logical3A_117 : vector<256x128xi32>
    %or3A_119 = arith.ori %and3A_115, %shift_right_logical3A_118 : vector<256x128xi32>
    %swap3A_120 = arith.constant 5 : index
    %swap3A_121 = arith.constant 0 : index
    %swap3A_122 = arith.constant 0 : index
    %swap3A_123 = vector.load %arg6[%swap3A_120, %swap3A_121, %swap3A_122] : memref<16x256x128xi32, #tpu.memory_space<vmem>>, vector<1x256x128xi32>
    %swap3A_124 = vector.shape_cast %swap3A_123 : vector<1x256x128xi32> to vector<256x128xi32>
    %swap3A_125 = vector.shape_cast %or3A_119 : vector<256x128xi32> to vector<1x256x128xi32>
    tpu.vector_store %arg6[%swap3A_120, %swap3A_121, %swap3A_122], %swap3A_125 {strides = array<i32>} : memref<16x256x128xi32, #tpu.memory_space<vmem>>, vector<1x256x128xi32>,
    %slice3A_126 = vector.extract_strided_slice %dot_general3A_28 {offsets = [0, 1536], sizes = [256, 128], strides = [1, 1]} : vector<256x4096xf32> to vector<256x128xf32>
    %bitcast_convert_type3A_127 = tpu.bitcast %slice3A_126 : vector<256x128xf32> -> vector<256x128xi32>
    %slice3A_128 = vector.extract_strided_slice %dot_general3A_28 {offsets = [0, 1664], sizes = [256, 128], strides = [1, 1]} : vector<256x4096xf32> to vector<256x128xf32>
    %bitcast_convert_type3A_129 = tpu.bitcast %slice3A_128 : vector<256x128xf32> -> vector<256x128xi32>
    %and3A_130 = arith.constant -65536 : i32
    %and3A_131 = vector.broadcast %and3A_130 : i32 to vector<256x128xi32>
    %and3A_132 = arith.andi %bitcast_convert_type3A_129, %and3A_131 : vector<256x128xi32>
    %shift_right_logical3A_133 = arith.constant 16 : i32
    %shift_right_logical3A_134 = vector.broadcast %shift_right_logical3A_133 : i32 to vector<256x128xi32>
    %shift_right_logical3A_135 = arith.shrui %bitcast_convert_type3A_127, %shift_right_logical3A_134 : vector<256x128xi32>
    %or3A_136 = arith.ori %and3A_132, %shift_right_logical3A_135 : vector<256x128xi32>
    %swap3A_137 = arith.constant 6 : index
    %swap3A_138 = arith.constant 0 : index
    %swap3A_139 = arith.constant 0 : index
    %swap3A_140 = vector.load %arg6[%swap3A_137, %swap3A_138, %swap3A_139] : memref<16x256x128xi32, #tpu.memory_space<vmem>>, vector<1x256x128xi32>
    %swap3A_141 = vector.shape_cast %swap3A_140 : vector<1x256x128xi32> to vector<256x128xi32>
    %swap3A_142 = vector.shape_cast %or3A_136 : vector<256x128xi32> to vector<1x256x128xi32>
    tpu.vector_store %arg6[%swap3A_137, %swap3A_138, %swap3A_139], %swap3A_142 {strides = array<i32>} : memref<16x256x128xi32, #tpu.memory_space<vmem>>, vector<1x256x128xi32>,
    %slice3A_143 = vector.extract_strided_slice %dot_general3A_28 {offsets = [0, 1792], sizes = [256, 128], strides = [1, 1]} : vector<256x4096xf32> to vector<256x128xf32>
    %bitcast_convert_type3A_144 = tpu.bitcast %slice3A_143 : vector<256x128xf32> -> vector<256x128xi32>
    %slice3A_145 = vector.extract_strided_slice %dot_general3A_28 {offsets = [0, 1920], sizes = [256, 128], strides = [1, 1]} : vector<256x4096xf32> to vector<256x128xf32>
    %bitcast_convert_type3A_146 = tpu.bitcast %slice3A_145 : vector<256x128xf32> -> vector<256x128xi32>
    %and3A_147 = arith.constant -65536 : i32
    %and3A_148 = vector.broadcast %and3A_147 : i32 to vector<256x128xi32>
    %and3A_149 = arith.andi %bitcast_convert_type3A_146, %and3A_148 : vector<256x128xi32>
    %shift_right_logical3A_150 = arith.constant 16 : i32
    %shift_right_logical3A_151 = vector.broadcast %shift_right_logical3A_150 : i32 to vector<256x128xi32>
    %shift_right_logical3A_152 = arith.shrui %bitcast_convert_type3A_144, %shift_right_logical3A_151 : vector<256x128xi32>
    %or3A_153 = arith.ori %and3A_149, %shift_right_logical3A_152 : vector<256x128xi32>
    %swap3A_154 = arith.constant 7 : index
    %swap3A_155 = arith.constant 0 : index
    %swap3A_156 = arith.constant 0 : index
    %swap3A_157 = vector.load %arg6[%swap3A_154, %swap3A_155, %swap3A_156] : memref<16x256x128xi32, #tpu.memory_space<vmem>>, vector<1x256x128xi32>
    %swap3A_158 = vector.shape_cast %swap3A_157 : vector<1x256x128xi32> to vector<256x128xi32>
    %swap3A_159 = vector.shape_cast %or3A_153 : vector<256x128xi32> to vector<1x256x128xi32>
    tpu.vector_store %arg6[%swap3A_154, %swap3A_155, %swap3A_156], %swap3A_159 {strides = array<i32>} : memref<16x256x128xi32, #tpu.memory_space<vmem>>, vector<1x256x128xi32>,
    %slice3A_160 = vector.extract_strided_slice %dot_general3A_28 {offsets = [0, 2048], sizes = [256, 128], strides = [1, 1]} : vector<256x4096xf32> to vector<256x128xf32>
    %bitcast_convert_type3A_161 = tpu.bitcast %slice3A_160 : vector<256x128xf32> -> vector<256x128xi32>
    %slice3A_162 = vector.extract_strided_slice %dot_general3A_28 {offsets = [0, 2176], sizes = [256, 128], strides = [1, 1]} : vector<256x4096xf32> to vector<256x128xf32>
    %bitcast_convert_type3A_163 = tpu.bitcast %slice3A_162 : vector<256x128xf32> -> vector<256x128xi32>
    %and3A_164 = arith.constant -65536 : i32
    %and3A_165 = vector.broadcast %and3A_164 : i32 to vector<256x128xi32>
    %and3A_166 = arith.andi %bitcast_convert_type3A_163, %and3A_165 : vector<256x128xi32>
    %shift_right_logical3A_167 = arith.constant 16 : i32
    %shift_right_logical3A_168 = vector.broadcast %shift_right_logical3A_167 : i32 to vector<256x128xi32>
    %shift_right_logical3A_169 = arith.shrui %bitcast_convert_type3A_161, %shift_right_logical3A_168 : vector<256x128xi32>
    %or3A_170 = arith.ori %and3A_166, %shift_right_logical3A_169 : vector<256x128xi32>
    %swap3A_171 = arith.constant 8 : index
    %swap3A_172 = arith.constant 0 : index
    %swap3A_173 = arith.constant 0 : index
    %swap3A_174 = vector.load %arg6[%swap3A_171, %swap3A_172, %swap3A_173] : memref<16x256x128xi32, #tpu.memory_space<vmem>>, vector<1x256x128xi32>
    %swap3A_175 = vector.shape_cast %swap3A_174 : vector<1x256x128xi32> to vector<256x128xi32>
    %swap3A_176 = vector.shape_cast %or3A_170 : vector<256x128xi32> to vector<1x256x128xi32>
    tpu.vector_store %arg6[%swap3A_171, %swap3A_172, %swap3A_173], %swap3A_176 {strides = array<i32>} : memref<16x256x128xi32, #tpu.memory_space<vmem>>, vector<1x256x128xi32>,
    %slice3A_177 = vector.extract_strided_slice %dot_general3A_28 {offsets = [0, 2304], sizes = [256, 128], strides = [1, 1]} : vector<256x4096xf32> to vector<256x128xf32>
    %bitcast_convert_type3A_178 = tpu.bitcast %slice3A_177 : vector<256x128xf32> -> vector<256x128xi32>
    %slice3A_179 = vector.extract_strided_slice %dot_general3A_28 {offsets = [0, 2432], sizes = [256, 128], strides = [1, 1]} : vector<256x4096xf32> to vector<256x128xf32>
    %bitcast_convert_type3A_180 = tpu.bitcast %slice3A_179 : vector<256x128xf32> -> vector<256x128xi32>
    %and3A_181 = arith.constant -65536 : i32
    %and3A_182 = vector.broadcast %and3A_181 : i32 to vector<256x128xi32>
    %and3A_183 = arith.andi %bitcast_convert_type3A_180, %and3A_182 : vector<256x128xi32>
    %shift_right_logical3A_184 = arith.constant 16 : i32
    %shift_right_logical3A_185 = vector.broadcast %shift_right_logical3A_184 : i32 to vector<256x128xi32>
    %shift_right_logical3A_186 = arith.shrui %bitcast_convert_type3A_178, %shift_right_logical3A_185 : vector<256x128xi32>
    %or3A_187 = arith.ori %and3A_183, %shift_right_logical3A_186 : vector<256x128xi32>
    %swap3A_188 = arith.constant 9 : index
    %swap3A_189 = arith.constant 0 : index
    %swap3A_190 = arith.constant 0 : index
    %swap3A_191 = vector.load %arg6[%swap3A_188, %swap3A_189, %swap3A_190] : memref<16x256x128xi32, #tpu.memory_space<vmem>>, vector<1x256x128xi32>
    %swap3A_192 = vector.shape_cast %swap3A_191 : vector<1x256x128xi32> to vector<256x128xi32>
    %swap3A_193 = vector.shape_cast %or3A_187 : vector<256x128xi32> to vector<1x256x128xi32>
    tpu.vector_store %arg6[%swap3A_188, %swap3A_189, %swap3A_190], %swap3A_193 {strides = array<i32>} : memref<16x256x128xi32, #tpu.memory_space<vmem>>, vector<1x256x128xi32>,
    %slice3A_194 = vector.extract_strided_slice %dot_general3A_28 {offsets = [0, 2560], sizes = [256, 128], strides = [1, 1]} : vector<256x4096xf32> to vector<256x128xf32>
    %bitcast_convert_type3A_195 = tpu.bitcast %slice3A_194 : vector<256x128xf32> -> vector<256x128xi32>
    %slice3A_196 = vector.extract_strided_slice %dot_general3A_28 {offsets = [0, 2688], sizes = [256, 128], strides = [1, 1]} : vector<256x4096xf32> to vector<256x128xf32>
    %bitcast_convert_type3A_197 = tpu.bitcast %slice3A_196 : vector<256x128xf32> -> vector<256x128xi32>
    %and3A_198 = arith.constant -65536 : i32
    %and3A_199 = vector.broadcast %and3A_198 : i32 to vector<256x128xi32>
    %and3A_200 = arith.andi %bitcast_convert_type3A_197, %and3A_199 : vector<256x128xi32>
    %shift_right_logical3A_201 = arith.constant 16 : i32
    %shift_right_logical3A_202 = vector.broadcast %shift_right_logical3A_201 : i32 to vector<256x128xi32>
    %shift_right_logical3A_203 = arith.shrui %bitcast_convert_type3A_195, %shift_right_logical3A_202 : vector<256x128xi32>
    %or3A_204 = arith.ori %and3A_200, %shift_right_logical3A_203 : vector<256x128xi32>
    %swap3A_205 = arith.constant 10 : index
    %swap3A_206 = arith.constant 0 : index
    %swap3A_207 = arith.constant 0 : index
    %swap3A_208 = vector.load %arg6[%swap3A_205, %swap3A_206, %swap3A_207] : memref<16x256x128xi32, #tpu.memory_space<vmem>>, vector<1x256x128xi32>
    %swap3A_209 = vector.shape_cast %swap3A_208 : vector<1x256x128xi32> to vector<256x128xi32>
    %swap3A_210 = vector.shape_cast %or3A_204 : vector<256x128xi32> to vector<1x256x128xi32>
    tpu.vector_store %arg6[%swap3A_205, %swap3A_206, %swap3A_207], %swap3A_210 {strides = array<i32>} : memref<16x256x128xi32, #tpu.memory_space<vmem>>, vector<1x256x128xi32>,
    %slice3A_211 = vector.extract_strided_slice %dot_general3A_28 {offsets = [0, 2816], sizes = [256, 128], strides = [1, 1]} : vector<256x4096xf32> to vector<256x128xf32>
    %bitcast_convert_type3A_212 = tpu.bitcast %slice3A_211 : vector<256x128xf32> -> vector<256x128xi32>
    %slice3A_213 = vector.extract_strided_slice %dot_general3A_28 {offsets = [0, 2944], sizes = [256, 128], strides = [1, 1]} : vector<256x4096xf32> to vector<256x128xf32>
    %bitcast_convert_type3A_214 = tpu.bitcast %slice3A_213 : vector<256x128xf32> -> vector<256x128xi32>
    %and3A_215 = arith.constant -65536 : i32
    %and3A_216 = vector.broadcast %and3A_215 : i32 to vector<256x128xi32>
    %and3A_217 = arith.andi %bitcast_convert_type3A_214, %and3A_216 : vector<256x128xi32>
    %shift_right_logical3A_218 = arith.constant 16 : i32
    %shift_right_logical3A_219 = vector.broadcast %shift_right_logical3A_218 : i32 to vector<256x128xi32>
    %shift_right_logical3A_220 = arith.shrui %bitcast_convert_type3A_212, %shift_right_logical3A_219 : vector<256x128xi32>
    %or3A_221 = arith.ori %and3A_217, %shift_right_logical3A_220 : vector<256x128xi32>
    %swap3A_222 = arith.constant 11 : index
    %swap3A_223 = arith.constant 0 : index
    %swap3A_224 = arith.constant 0 : index
    %swap3A_225 = vector.load %arg6[%swap3A_222, %swap3A_223, %swap3A_224] : memref<16x256x128xi32, #tpu.memory_space<vmem>>, vector<1x256x128xi32>
    %swap3A_226 = vector.shape_cast %swap3A_225 : vector<1x256x128xi32> to vector<256x128xi32>
    %swap3A_227 = vector.shape_cast %or3A_221 : vector<256x128xi32> to vector<1x256x128xi32>
    tpu.vector_store %arg6[%swap3A_222, %swap3A_223, %swap3A_224], %swap3A_227 {strides = array<i32>} : memref<16x256x128xi32, #tpu.memory_space<vmem>>, vector<1x256x128xi32>,
    %slice3A_228 = vector.extract_strided_slice %dot_general3A_28 {offsets = [0, 3072], sizes = [256, 128], strides = [1, 1]} : vector<256x4096xf32> to vector<256x128xf32>
    %bitcast_convert_type3A_229 = tpu.bitcast %slice3A_228 : vector<256x128xf32> -> vector<256x128xi32>
    %slice3A_230 = vector.extract_strided_slice %dot_general3A_28 {offsets = [0, 3200], sizes = [256, 128], strides = [1, 1]} : vector<256x4096xf32> to vector<256x128xf32>
    %bitcast_convert_type3A_231 = tpu.bitcast %slice3A_230 : vector<256x128xf32> -> vector<256x128xi32>
    %and3A_232 = arith.constant -65536 : i32
    %and3A_233 = vector.broadcast %and3A_232 : i32 to vector<256x128xi32>
    %and3A_234 = arith.andi %bitcast_convert_type3A_231, %and3A_233 : vector<256x128xi32>
    %shift_right_logical3A_235 = arith.constant 16 : i32
    %shift_right_logical3A_236 = vector.broadcast %shift_right_logical3A_235 : i32 to vector<256x128xi32>
    %shift_right_logical3A_237 = arith.shrui %bitcast_convert_type3A_229, %shift_right_logical3A_236 : vector<256x128xi32>
    %or3A_238 = arith.ori %and3A_234, %shift_right_logical3A_237 : vector<256x128xi32>
    %swap3A_239 = arith.constant 12 : index
    %swap3A_240 = arith.constant 0 : index
    %swap3A_241 = arith.constant 0 : index
    %swap3A_242 = vector.load %arg6[%swap3A_239, %swap3A_240, %swap3A_241] : memref<16x256x128xi32, #tpu.memory_space<vmem>>, vector<1x256x128xi32>
    %swap3A_243 = vector.shape_cast %swap3A_242 : vector<1x256x128xi32> to vector<256x128xi32>
    %swap3A_244 = vector.shape_cast %or3A_238 : vector<256x128xi32> to vector<1x256x128xi32>
    tpu.vector_store %arg6[%swap3A_239, %swap3A_240, %swap3A_241], %swap3A_244 {strides = array<i32>} : memref<16x256x128xi32, #tpu.memory_space<vmem>>, vector<1x256x128xi32>,
    %slice3A_245 = vector.extract_strided_slice %dot_general3A_28 {offsets = [0, 3328], sizes = [256, 128], strides = [1, 1]} : vector<256x4096xf32> to vector<256x128xf32>
    %bitcast_convert_type3A_246 = tpu.bitcast %slice3A_245 : vector<256x128xf32> -> vector<256x128xi32>
    %slice3A_247 = vector.extract_strided_slice %dot_general3A_28 {offsets = [0, 3456], sizes = [256, 128], strides = [1, 1]} : vector<256x4096xf32> to vector<256x128xf32>
    %bitcast_convert_type3A_248 = tpu.bitcast %slice3A_247 : vector<256x128xf32> -> vector<256x128xi32>
    %and3A_249 = arith.constant -65536 : i32
    %and3A_250 = vector.broadcast %and3A_249 : i32 to vector<256x128xi32>
    %and3A_251 = arith.andi %bitcast_convert_type3A_248, %and3A_250 : vector<256x128xi32>
    %shift_right_logical3A_252 = arith.constant 16 : i32
    %shift_right_logical3A_253 = vector.broadcast %shift_right_logical3A_252 : i32 to vector<256x128xi32>
    %shift_right_logical3A_254 = arith.shrui %bitcast_convert_type3A_246, %shift_right_logical3A_253 : vector<256x128xi32>
    %or3A_255 = arith.ori %and3A_251, %shift_right_logical3A_254 : vector<256x128xi32>
    %swap3A_256 = arith.constant 13 : index
    %swap3A_257 = arith.constant 0 : index
    %swap3A_258 = arith.constant 0 : index
    %swap3A_259 = vector.load %arg6[%swap3A_256, %swap3A_257, %swap3A_258] : memref<16x256x128xi32, #tpu.memory_space<vmem>>, vector<1x256x128xi32>
    %swap3A_260 = vector.shape_cast %swap3A_259 : vector<1x256x128xi32> to vector<256x128xi32>
    %swap3A_261 = vector.shape_cast %or3A_255 : vector<256x128xi32> to vector<1x256x128xi32>
    tpu.vector_store %arg6[%swap3A_256, %swap3A_257, %swap3A_258], %swap3A_261 {strides = array<i32>} : memref<16x256x128xi32, #tpu.memory_space<vmem>>, vector<1x256x128xi32>,
    %slice3A_262 = vector.extract_strided_slice %dot_general3A_28 {offsets = [0, 3584], sizes = [256, 128], strides = [1, 1]} : vector<256x4096xf32> to vector<256x128xf32>
    %bitcast_convert_type3A_263 = tpu.bitcast %slice3A_262 : vector<256x128xf32> -> vector<256x128xi32>
    %slice3A_264 = vector.extract_strided_slice %dot_general3A_28 {offsets = [0, 3712], sizes = [256, 128], strides = [1, 1]} : vector<256x4096xf32> to vector<256x128xf32>
    %bitcast_convert_type3A_265 = tpu.bitcast %slice3A_264 : vector<256x128xf32> -> vector<256x128xi32>
    %and3A_266 = arith.constant -65536 : i32
    %and3A_267 = vector.broadcast %and3A_266 : i32 to vector<256x128xi32>
    %and3A_268 = arith.andi %bitcast_convert_type3A_265, %and3A_267 : vector<256x128xi32>
    %shift_right_logical3A_269 = arith.constant 16 : i32
    %shift_right_logical3A_270 = vector.broadcast %shift_right_logical3A_269 : i32 to vector<256x128xi32>
    %shift_right_logical3A_271 = arith.shrui %bitcast_convert_type3A_263, %shift_right_logical3A_270 : vector<256x128xi32>
    %or3A_272 = arith.ori %and3A_268, %shift_right_logical3A_271 : vector<256x128xi32>
    %swap3A_273 = arith.constant 14 : index
    %swap3A_274 = arith.constant 0 : index
    %swap3A_275 = arith.constant 0 : index
    %swap3A_276 = vector.load %arg6[%swap3A_273, %swap3A_274, %swap3A_275] : memref<16x256x128xi32, #tpu.memory_space<vmem>>, vector<1x256x128xi32>
    %swap3A_277 = vector.shape_cast %swap3A_276 : vector<1x256x128xi32> to vector<256x128xi32>
    %swap3A_278 = vector.shape_cast %or3A_272 : vector<256x128xi32> to vector<1x256x128xi32>
    tpu.vector_store %arg6[%swap3A_273, %swap3A_274, %swap3A_275], %swap3A_278 {strides = array<i32>} : memref<16x256x128xi32, #tpu.memory_space<vmem>>, vector<1x256x128xi32>,
    %slice3A_279 = vector.extract_strided_slice %dot_general3A_28 {offsets = [0, 3840], sizes = [256, 128], strides = [1, 1]} : vector<256x4096xf32> to vector<256x128xf32>
    %bitcast_convert_type3A_280 = tpu.bitcast %slice3A_279 : vector<256x128xf32> -> vector<256x128xi32>
    %slice3A_281 = vector.extract_strided_slice %dot_general3A_28 {offsets = [0, 3968], sizes = [256, 128], strides = [1, 1]} : vector<256x4096xf32> to vector<256x128xf32>
    %bitcast_convert_type3A_282 = tpu.bitcast %slice3A_281 : vector<256x128xf32> -> vector<256x128xi32>
    %and3A_283 = arith.constant -65536 : i32
    %and3A_284 = vector.broadcast %and3A_283 : i32 to vector<256x128xi32>
    %and3A_285 = arith.andi %bitcast_convert_type3A_282, %and3A_284 : vector<256x128xi32>
    %shift_right_logical3A_286 = arith.constant 16 : i32
    %shift_right_logical3A_287 = vector.broadcast %shift_right_logical3A_286 : i32 to vector<256x128xi32>
    %shift_right_logical3A_288 = arith.shrui %bitcast_convert_type3A_280, %shift_right_logical3A_287 : vector<256x128xi32>
    %or3A_289 = arith.ori %and3A_285, %shift_right_logical3A_288 : vector<256x128xi32>
    %swap3A_290 = arith.constant 15 : index
    %swap3A_291 = arith.constant 0 : index
    %swap3A_292 = arith.constant 0 : index
    %swap3A_293 = vector.load %arg6[%swap3A_290, %swap3A_291, %swap3A_292] : memref<16x256x128xi32, #tpu.memory_space<vmem>>, vector<1x256x128xi32>
    %swap3A_294 = vector.shape_cast %swap3A_293 : vector<1x256x128xi32> to vector<256x128xi32>
    %swap3A_295 = vector.shape_cast %or3A_289 : vector<256x128xi32> to vector<1x256x128xi32>
    tpu.vector_store %arg6[%swap3A_290, %swap3A_291, %swap3A_292], %swap3A_295 {strides = array<i32>} : memref<16x256x128xi32, #tpu.memory_space<vmem>>, vector<1x256x128xi32>,
    %iota3A = tpu.iota {dimensions = array<i32: 1>} : vector<256x128xi32>
    %broadcast_in_dim3A = arith.constant 3.000000e+38 : f32
    %broadcast_in_dim3A_296 = vector.broadcast %broadcast_in_dim3A : f32 to vector<256x128xf32>
    %slice3A_297 = vector.extract_strided_slice %dot_general3A_11 {offsets = [0, 0], sizes = [256, 128], strides = [1, 1]} : vector<256x4096xf32> to vector<256x128xf32>
    %bitcast_convert_type3A_298 = tpu.bitcast %slice3A_297 : vector<256x128xf32> -> vector<256x128xi32>
    %and3A_299 = arith.constant -4096 : i32
    %and3A_300 = vector.broadcast %and3A_299 : i32 to vector<256x128xi32>
    %and3A_301 = arith.andi %bitcast_convert_type3A_298, %and3A_300 : vector<256x128xi32>
    %add3A = arith.constant 0 : i32
    %add3A_302 = vector.broadcast %add3A : i32 to vector<256x128xi32>
    %add3A_303 = arith.addi %iota3A, %add3A_302 : vector<256x128xi32>
    %or3A_304 = arith.ori %and3A_301, %add3A_303 : vector<256x128xi32>
    %bitcast_convert_type3A_305 = tpu.bitcast %or3A_304 : vector<256x128xi32> -> vector<256x128xf32>
    %min3A = arith.minimumf %broadcast_in_dim3A_296, %bitcast_convert_type3A_305 : vector<256x128xf32>
    %max3A = arith.maximumf %broadcast_in_dim3A_296, %bitcast_convert_type3A_305 : vector<256x128xf32>
    %min3A_306 = arith.minimumf %broadcast_in_dim3A_296, %max3A : vector<256x128xf32>
    %slice3A_307 = vector.extract_strided_slice %dot_general3A_11 {offsets = [0, 128], sizes = [256, 128], strides = [1, 1]} : vector<256x4096xf32> to vector<256x128xf32>
    %bitcast_convert_type3A_308 = tpu.bitcast %slice3A_307 : vector<256x128xf32> -> vector<256x128xi32>
    %and3A_309 = arith.constant -4096 : i32
    %and3A_310 = vector.broadcast %and3A_309 : i32 to vector<256x128xi32>
    %and3A_311 = arith.andi %bitcast_convert_type3A_308, %and3A_310 : vector<256x128xi32>
    %add3A_312 = arith.constant 128 : i32
    %add3A_313 = vector.broadcast %add3A_312 : i32 to vector<256x128xi32>
    %add3A_314 = arith.addi %iota3A, %add3A_313 : vector<256x128xi32>
    %or3A_315 = arith.ori %and3A_311, %add3A_314 : vector<256x128xi32>
    %bitcast_convert_type3A_316 = tpu.bitcast %or3A_315 : vector<256x128xi32> -> vector<256x128xf32>
    %min3A_317 = arith.minimumf %min3A, %bitcast_convert_type3A_316 : vector<256x128xf32>
    %max3A_318 = arith.maximumf %min3A, %bitcast_convert_type3A_316 : vector<256x128xf32>
    %min3A_319 = arith.minimumf %min3A_306, %max3A_318 : vector<256x128xf32>
    %slice3A_320 = vector.extract_strided_slice %dot_general3A_11 {offsets = [0, 256], sizes = [256, 128], strides = [1, 1]} : vector<256x4096xf32> to vector<256x128xf32>
    %bitcast_convert_type3A_321 = tpu.bitcast %slice3A_320 : vector<256x128xf32> -> vector<256x128xi32>
    %and3A_322 = arith.constant -4096 : i32
    %and3A_323 = vector.broadcast %and3A_322 : i32 to vector<256x128xi32>
    %and3A_324 = arith.andi %bitcast_convert_type3A_321, %and3A_323 : vector<256x128xi32>
    %add3A_325 = arith.constant 256 : i32
    %add3A_326 = vector.broadcast %add3A_325 : i32 to vector<256x128xi32>
    %add3A_327 = arith.addi %iota3A, %add3A_326 : vector<256x128xi32>
    %or3A_328 = arith.ori %and3A_324, %add3A_327 : vector<256x128xi32>
    %bitcast_convert_type3A_329 = tpu.bitcast %or3A_328 : vector<256x128xi32> -> vector<256x128xf32>
    %min3A_330 = arith.minimumf %min3A_317, %bitcast_convert_type3A_329 : vector<256x128xf32>
    %max3A_331 = arith.maximumf %min3A_317, %bitcast_convert_type3A_329 : vector<256x128xf32>
    %min3A_332 = arith.minimumf %min3A_319, %max3A_331 : vector<256x128xf32>
    %slice3A_333 = vector.extract_strided_slice %dot_general3A_11 {offsets = [0, 384], sizes = [256, 128], strides = [1, 1]} : vector<256x4096xf32> to vector<256x128xf32>
    %bitcast_convert_type3A_334 = tpu.bitcast %slice3A_333 : vector<256x128xf32> -> vector<256x128xi32>
    %and3A_335 = arith.constant -4096 : i32
    %and3A_336 = vector.broadcast %and3A_335 : i32 to vector<256x128xi32>
    %and3A_337 = arith.andi %bitcast_convert_type3A_334, %and3A_336 : vector<256x128xi32>
    %add3A_338 = arith.constant 384 : i32
    %add3A_339 = vector.broadcast %add3A_338 : i32 to vector<256x128xi32>
    %add3A_340 = arith.addi %iota3A, %add3A_339 : vector<256x128xi32>
    %or3A_341 = arith.ori %and3A_337, %add3A_340 : vector<256x128xi32>
    %bitcast_convert_type3A_342 = tpu.bitcast %or3A_341 : vector<256x128xi32> -> vector<256x128xf32>
    %min3A_343 = arith.minimumf %min3A_330, %bitcast_convert_type3A_342 : vector<256x128xf32>
    %max3A_344 = arith.maximumf %min3A_330, %bitcast_convert_type3A_342 : vector<256x128xf32>
    %min3A_345 = arith.minimumf %min3A_332, %max3A_344 : vector<256x128xf32>
    %slice3A_346 = vector.extract_strided_slice %dot_general3A_11 {offsets = [0, 512], sizes = [256, 128], strides = [1, 1]} : vector<256x4096xf32> to vector<256x128xf32>
    %bitcast_convert_type3A_347 = tpu.bitcast %slice3A_346 : vector<256x128xf32> -> vector<256x128xi32>
    %and3A_348 = arith.constant -4096 : i32
    %and3A_349 = vector.broadcast %and3A_348 : i32 to vector<256x128xi32>
    %and3A_350 = arith.andi %bitcast_convert_type3A_347, %and3A_349 : vector<256x128xi32>
    %add3A_351 = arith.constant 512 : i32
    %add3A_352 = vector.broadcast %add3A_351 : i32 to vector<256x128xi32>
    %add3A_353 = arith.addi %iota3A, %add3A_352 : vector<256x128xi32>
    %or3A_354 = arith.ori %and3A_350, %add3A_353 : vector<256x128xi32>
    %bitcast_convert_type3A_355 = tpu.bitcast %or3A_354 : vector<256x128xi32> -> vector<256x128xf32>
    %min3A_356 = arith.minimumf %min3A_343, %bitcast_convert_type3A_355 : vector<256x128xf32>
    %max3A_357 = arith.maximumf %min3A_343, %bitcast_convert_type3A_355 : vector<256x128xf32>
    %min3A_358 = arith.minimumf %min3A_345, %max3A_357 : vector<256x128xf32>
    %slice3A_359 = vector.extract_strided_slice %dot_general3A_11 {offsets = [0, 640], sizes = [256, 128], strides = [1, 1]} : vector<256x4096xf32> to vector<256x128xf32>
    %bitcast_convert_type3A_360 = tpu.bitcast %slice3A_359 : vector<256x128xf32> -> vector<256x128xi32>
    %and3A_361 = arith.constant -4096 : i32
    %and3A_362 = vector.broadcast %and3A_361 : i32 to vector<256x128xi32>
    %and3A_363 = arith.andi %bitcast_convert_type3A_360, %and3A_362 : vector<256x128xi32>
    %add3A_364 = arith.constant 640 : i32
    %add3A_365 = vector.broadcast %add3A_364 : i32 to vector<256x128xi32>
    %add3A_366 = arith.addi %iota3A, %add3A_365 : vector<256x128xi32>
    %or3A_367 = arith.ori %and3A_363, %add3A_366 : vector<256x128xi32>
    %bitcast_convert_type3A_368 = tpu.bitcast %or3A_367 : vector<256x128xi32> -> vector<256x128xf32>
    %min3A_369 = arith.minimumf %min3A_356, %bitcast_convert_type3A_368 : vector<256x128xf32>
    %max3A_370 = arith.maximumf %min3A_356, %bitcast_convert_type3A_368 : vector<256x128xf32>
    %min3A_371 = arith.minimumf %min3A_358, %max3A_370 : vector<256x128xf32>
    %slice3A_372 = vector.extract_strided_slice %dot_general3A_11 {offsets = [0, 768], sizes = [256, 128], strides = [1, 1]} : vector<256x4096xf32> to vector<256x128xf32>
    %bitcast_convert_type3A_373 = tpu.bitcast %slice3A_372 : vector<256x128xf32> -> vector<256x128xi32>
    %and3A_374 = arith.constant -4096 : i32
    %and3A_375 = vector.broadcast %and3A_374 : i32 to vector<256x128xi32>
    %and3A_376 = arith.andi %bitcast_convert_type3A_373, %and3A_375 : vector<256x128xi32>
    %add3A_377 = arith.constant 768 : i32
    %add3A_378 = vector.broadcast %add3A_377 : i32 to vector<256x128xi32>
    %add3A_379 = arith.addi %iota3A, %add3A_378 : vector<256x128xi32>
    %or3A_380 = arith.ori %and3A_376, %add3A_379 : vector<256x128xi32>
    %bitcast_convert_type3A_381 = tpu.bitcast %or3A_380 : vector<256x128xi32> -> vector<256x128xf32>
    %min3A_382 = arith.minimumf %min3A_369, %bitcast_convert_type3A_381 : vector<256x128xf32>
    %max3A_383 = arith.maximumf %min3A_369, %bitcast_convert_type3A_381 : vector<256x128xf32>
    %min3A_384 = arith.minimumf %min3A_371, %max3A_383 : vector<256x128xf32>
    %slice3A_385 = vector.extract_strided_slice %dot_general3A_11 {offsets = [0, 896], sizes = [256, 128], strides = [1, 1]} : vector<256x4096xf32> to vector<256x128xf32>
    %bitcast_convert_type3A_386 = tpu.bitcast %slice3A_385 : vector<256x128xf32> -> vector<256x128xi32>
    %and3A_387 = arith.constant -4096 : i32
    %and3A_388 = vector.broadcast %and3A_387 : i32 to vector<256x128xi32>
    %and3A_389 = arith.andi %bitcast_convert_type3A_386, %and3A_388 : vector<256x128xi32>
    %add3A_390 = arith.constant 896 : i32
    %add3A_391 = vector.broadcast %add3A_390 : i32 to vector<256x128xi32>
    %add3A_392 = arith.addi %iota3A, %add3A_391 : vector<256x128xi32>
    %or3A_393 = arith.ori %and3A_389, %add3A_392 : vector<256x128xi32>
    %bitcast_convert_type3A_394 = tpu.bitcast %or3A_393 : vector<256x128xi32> -> vector<256x128xf32>
    %min3A_395 = arith.minimumf %min3A_382, %bitcast_convert_type3A_394 : vector<256x128xf32>
    %max3A_396 = arith.maximumf %min3A_382, %bitcast_convert_type3A_394 : vector<256x128xf32>
    %min3A_397 = arith.minimumf %min3A_384, %max3A_396 : vector<256x128xf32>
    %slice3A_398 = vector.extract_strided_slice %dot_general3A_11 {offsets = [0, 1024], sizes = [256, 128], strides = [1, 1]} : vector<256x4096xf32> to vector<256x128xf32>
    %bitcast_convert_type3A_399 = tpu.bitcast %slice3A_398 : vector<256x128xf32> -> vector<256x128xi32>
    %and3A_400 = arith.constant -4096 : i32
    %and3A_401 = vector.broadcast %and3A_400 : i32 to vector<256x128xi32>
    %and3A_402 = arith.andi %bitcast_convert_type3A_399, %and3A_401 : vector<256x128xi32>
    %add3A_403 = arith.constant 1024 : i32
    %add3A_404 = vector.broadcast %add3A_403 : i32 to vector<256x128xi32>
    %add3A_405 = arith.addi %iota3A, %add3A_404 : vector<256x128xi32>
    %or3A_406 = arith.ori %and3A_402, %add3A_405 : vector<256x128xi32>
    %bitcast_convert_type3A_407 = tpu.bitcast %or3A_406 : vector<256x128xi32> -> vector<256x128xf32>
    %min3A_408 = arith.minimumf %min3A_395, %bitcast_convert_type3A_407 : vector<256x128xf32>
    %max3A_409 = arith.maximumf %min3A_395, %bitcast_convert_type3A_407 : vector<256x128xf32>
    %min3A_410 = arith.minimumf %min3A_397, %max3A_409 : vector<256x128xf32>
    %slice3A_411 = vector.extract_strided_slice %dot_general3A_11 {offsets = [0, 1152], sizes = [256, 128], strides = [1, 1]} : vector<256x4096xf32> to vector<256x128xf32>
    %bitcast_convert_type3A_412 = tpu.bitcast %slice3A_411 : vector<256x128xf32> -> vector<256x128xi32>
    %and3A_413 = arith.constant -4096 : i32
    %and3A_414 = vector.broadcast %and3A_413 : i32 to vector<256x128xi32>
    %and3A_415 = arith.andi %bitcast_convert_type3A_412, %and3A_414 : vector<256x128xi32>
    %add3A_416 = arith.constant 1152 : i32
    %add3A_417 = vector.broadcast %add3A_416 : i32 to vector<256x128xi32>
    %add3A_418 = arith.addi %iota3A, %add3A_417 : vector<256x128xi32>
    %or3A_419 = arith.ori %and3A_415, %add3A_418 : vector<256x128xi32>
    %bitcast_convert_type3A_420 = tpu.bitcast %or3A_419 : vector<256x128xi32> -> vector<256x128xf32>
    %min3A_421 = arith.minimumf %min3A_408, %bitcast_convert_type3A_420 : vector<256x128xf32>
    %max3A_422 = arith.maximumf %min3A_408, %bitcast_convert_type3A_420 : vector<256x128xf32>
    %min3A_423 = arith.minimumf %min3A_410, %max3A_422 : vector<256x128xf32>
    %slice3A_424 = vector.extract_strided_slice %dot_general3A_11 {offsets = [0, 1280], sizes = [256, 128], strides = [1, 1]} : vector<256x4096xf32> to vector<256x128xf32>
    %bitcast_convert_type3A_425 = tpu.bitcast %slice3A_424 : vector<256x128xf32> -> vector<256x128xi32>
    %and3A_426 = arith.constant -4096 : i32
    %and3A_427 = vector.broadcast %and3A_426 : i32 to vector<256x128xi32>
    %and3A_428 = arith.andi %bitcast_convert_type3A_425, %and3A_427 : vector<256x128xi32>
    %add3A_429 = arith.constant 1280 : i32
    %add3A_430 = vector.broadcast %add3A_429 : i32 to vector<256x128xi32>
    %add3A_431 = arith.addi %iota3A, %add3A_430 : vector<256x128xi32>
    %or3A_432 = arith.ori %and3A_428, %add3A_431 : vector<256x128xi32>
    %bitcast_convert_type3A_433 = tpu.bitcast %or3A_432 : vector<256x128xi32> -> vector<256x128xf32>
    %min3A_434 = arith.minimumf %min3A_421, %bitcast_convert_type3A_433 : vector<256x128xf32>
    %max3A_435 = arith.maximumf %min3A_421, %bitcast_convert_type3A_433 : vector<256x128xf32>
    %min3A_436 = arith.minimumf %min3A_423, %max3A_435 : vector<256x128xf32>
    %slice3A_437 = vector.extract_strided_slice %dot_general3A_11 {offsets = [0, 1408], sizes = [256, 128], strides = [1, 1]} : vector<256x4096xf32> to vector<256x128xf32>
    %bitcast_convert_type3A_438 = tpu.bitcast %slice3A_437 : vector<256x128xf32> -> vector<256x128xi32>
    %and3A_439 = arith.constant -4096 : i32
    %and3A_440 = vector.broadcast %and3A_439 : i32 to vector<256x128xi32>
    %and3A_441 = arith.andi %bitcast_convert_type3A_438, %and3A_440 : vector<256x128xi32>
    %add3A_442 = arith.constant 1408 : i32
    %add3A_443 = vector.broadcast %add3A_442 : i32 to vector<256x128xi32>
    %add3A_444 = arith.addi %iota3A, %add3A_443 : vector<256x128xi32>
    %or3A_445 = arith.ori %and3A_441, %add3A_444 : vector<256x128xi32>
    %bitcast_convert_type3A_446 = tpu.bitcast %or3A_445 : vector<256x128xi32> -> vector<256x128xf32>
    %min3A_447 = arith.minimumf %min3A_434, %bitcast_convert_type3A_446 : vector<256x128xf32>
    %max3A_448 = arith.maximumf %min3A_434, %bitcast_convert_type3A_446 : vector<256x128xf32>
    %min3A_449 = arith.minimumf %min3A_436, %max3A_448 : vector<256x128xf32>
    %slice3A_450 = vector.extract_strided_slice %dot_general3A_11 {offsets = [0, 1536], sizes = [256, 128], strides = [1, 1]} : vector<256x4096xf32> to vector<256x128xf32>
    %bitcast_convert_type3A_451 = tpu.bitcast %slice3A_450 : vector<256x128xf32> -> vector<256x128xi32>
    %and3A_452 = arith.constant -4096 : i32
    %and3A_453 = vector.broadcast %and3A_452 : i32 to vector<256x128xi32>
    %and3A_454 = arith.andi %bitcast_convert_type3A_451, %and3A_453 : vector<256x128xi32>
    %add3A_455 = arith.constant 1536 : i32
    %add3A_456 = vector.broadcast %add3A_455 : i32 to vector<256x128xi32>
    %add3A_457 = arith.addi %iota3A, %add3A_456 : vector<256x128xi32>
    %or3A_458 = arith.ori %and3A_454, %add3A_457 : vector<256x128xi32>
    %bitcast_convert_type3A_459 = tpu.bitcast %or3A_458 : vector<256x128xi32> -> vector<256x128xf32>
    %min3A_460 = arith.minimumf %min3A_447, %bitcast_convert_type3A_459 : vector<256x128xf32>
    %max3A_461 = arith.maximumf %min3A_447, %bitcast_convert_type3A_459 : vector<256x128xf32>
    %min3A_462 = arith.minimumf %min3A_449, %max3A_461 : vector<256x128xf32>
    %slice3A_463 = vector.extract_strided_slice %dot_general3A_11 {offsets = [0, 1664], sizes = [256, 128], strides = [1, 1]} : vector<256x4096xf32> to vector<256x128xf32>
    %bitcast_convert_type3A_464 = tpu.bitcast %slice3A_463 : vector<256x128xf32> -> vector<256x128xi32>
    %and3A_465 = arith.constant -4096 : i32
    %and3A_466 = vector.broadcast %and3A_465 : i32 to vector<256x128xi32>
    %and3A_467 = arith.andi %bitcast_convert_type3A_464, %and3A_466 : vector<256x128xi32>
    %add3A_468 = arith.constant 1664 : i32
    %add3A_469 = vector.broadcast %add3A_468 : i32 to vector<256x128xi32>
    %add3A_470 = arith.addi %iota3A, %add3A_469 : vector<256x128xi32>
    %or3A_471 = arith.ori %and3A_467, %add3A_470 : vector<256x128xi32>
    %bitcast_convert_type3A_472 = tpu.bitcast %or3A_471 : vector<256x128xi32> -> vector<256x128xf32>
    %min3A_473 = arith.minimumf %min3A_460, %bitcast_convert_type3A_472 : vector<256x128xf32>
    %max3A_474 = arith.maximumf %min3A_460, %bitcast_convert_type3A_472 : vector<256x128xf32>
    %min3A_475 = arith.minimumf %min3A_462, %max3A_474 : vector<256x128xf32>
    %slice3A_476 = vector.extract_strided_slice %dot_general3A_11 {offsets = [0, 1792], sizes = [256, 128], strides = [1, 1]} : vector<256x4096xf32> to vector<256x128xf32>
    %bitcast_convert_type3A_477 = tpu.bitcast %slice3A_476 : vector<256x128xf32> -> vector<256x128xi32>
    %and3A_478 = arith.constant -4096 : i32
    %and3A_479 = vector.broadcast %and3A_478 : i32 to vector<256x128xi32>
    %and3A_480 = arith.andi %bitcast_convert_type3A_477, %and3A_479 : vector<256x128xi32>
    %add3A_481 = arith.constant 1792 : i32
    %add3A_482 = vector.broadcast %add3A_481 : i32 to vector<256x128xi32>
    %add3A_483 = arith.addi %iota3A, %add3A_482 : vector<256x128xi32>
    %or3A_484 = arith.ori %and3A_480, %add3A_483 : vector<256x128xi32>
    %bitcast_convert_type3A_485 = tpu.bitcast %or3A_484 : vector<256x128xi32> -> vector<256x128xf32>
    %min3A_486 = arith.minimumf %min3A_473, %bitcast_convert_type3A_485 : vector<256x128xf32>
    %max3A_487 = arith.maximumf %min3A_473, %bitcast_convert_type3A_485 : vector<256x128xf32>
    %min3A_488 = arith.minimumf %min3A_475, %max3A_487 : vector<256x128xf32>
    %slice3A_489 = vector.extract_strided_slice %dot_general3A_11 {offsets = [0, 1920], sizes = [256, 128], strides = [1, 1]} : vector<256x4096xf32> to vector<256x128xf32>
    %bitcast_convert_type3A_490 = tpu.bitcast %slice3A_489 : vector<256x128xf32> -> vector<256x128xi32>
    %and3A_491 = arith.constant -4096 : i32
    %and3A_492 = vector.broadcast %and3A_491 : i32 to vector<256x128xi32>
    %and3A_493 = arith.andi %bitcast_convert_type3A_490, %and3A_492 : vector<256x128xi32>
    %add3A_494 = arith.constant 1920 : i32
    %add3A_495 = vector.broadcast %add3A_494 : i32 to vector<256x128xi32>
    %add3A_496 = arith.addi %iota3A, %add3A_495 : vector<256x128xi32>
    %or3A_497 = arith.ori %and3A_493, %add3A_496 : vector<256x128xi32>
    %bitcast_convert_type3A_498 = tpu.bitcast %or3A_497 : vector<256x128xi32> -> vector<256x128xf32>
    %min3A_499 = arith.minimumf %min3A_486, %bitcast_convert_type3A_498 : vector<256x128xf32>
    %max3A_500 = arith.maximumf %min3A_486, %bitcast_convert_type3A_498 : vector<256x128xf32>
    %min3A_501 = arith.minimumf %min3A_488, %max3A_500 : vector<256x128xf32>
    %slice3A_502 = vector.extract_strided_slice %dot_general3A_11 {offsets = [0, 2048], sizes = [256, 128], strides = [1, 1]} : vector<256x4096xf32> to vector<256x128xf32>
    %bitcast_convert_type3A_503 = tpu.bitcast %slice3A_502 : vector<256x128xf32> -> vector<256x128xi32>
    %and3A_504 = arith.constant -4096 : i32
    %and3A_505 = vector.broadcast %and3A_504 : i32 to vector<256x128xi32>
    %and3A_506 = arith.andi %bitcast_convert_type3A_503, %and3A_505 : vector<256x128xi32>
    %add3A_507 = arith.constant 2048 : i32
    %add3A_508 = vector.broadcast %add3A_507 : i32 to vector<256x128xi32>
    %add3A_509 = arith.addi %iota3A, %add3A_508 : vector<256x128xi32>
    %or3A_510 = arith.ori %and3A_506, %add3A_509 : vector<256x128xi32>
    %bitcast_convert_type3A_511 = tpu.bitcast %or3A_510 : vector<256x128xi32> -> vector<256x128xf32>
    %min3A_512 = arith.minimumf %min3A_499, %bitcast_convert_type3A_511 : vector<256x128xf32>
    %max3A_513 = arith.maximumf %min3A_499, %bitcast_convert_type3A_511 : vector<256x128xf32>
    %min3A_514 = arith.minimumf %min3A_501, %max3A_513 : vector<256x128xf32>
    %slice3A_515 = vector.extract_strided_slice %dot_general3A_11 {offsets = [0, 2176], sizes = [256, 128], strides = [1, 1]} : vector<256x4096xf32> to vector<256x128xf32>
    %bitcast_convert_type3A_516 = tpu.bitcast %slice3A_515 : vector<256x128xf32> -> vector<256x128xi32>
    %and3A_517 = arith.constant -4096 : i32
    %and3A_518 = vector.broadcast %and3A_517 : i32 to vector<256x128xi32>
    %and3A_519 = arith.andi %bitcast_convert_type3A_516, %and3A_518 : vector<256x128xi32>
    %add3A_520 = arith.constant 2176 : i32
    %add3A_521 = vector.broadcast %add3A_520 : i32 to vector<256x128xi32>
    %add3A_522 = arith.addi %iota3A, %add3A_521 : vector<256x128xi32>
    %or3A_523 = arith.ori %and3A_519, %add3A_522 : vector<256x128xi32>
    %bitcast_convert_type3A_524 = tpu.bitcast %or3A_523 : vector<256x128xi32> -> vector<256x128xf32>
    %min3A_525 = arith.minimumf %min3A_512, %bitcast_convert_type3A_524 : vector<256x128xf32>
    %max3A_526 = arith.maximumf %min3A_512, %bitcast_convert_type3A_524 : vector<256x128xf32>
    %min3A_527 = arith.minimumf %min3A_514, %max3A_526 : vector<256x128xf32>
    %slice3A_528 = vector.extract_strided_slice %dot_general3A_11 {offsets = [0, 2304], sizes = [256, 128], strides = [1, 1]} : vector<256x4096xf32> to vector<256x128xf32>
    %bitcast_convert_type3A_529 = tpu.bitcast %slice3A_528 : vector<256x128xf32> -> vector<256x128xi32>
    %and3A_530 = arith.constant -4096 : i32
    %and3A_531 = vector.broadcast %and3A_530 : i32 to vector<256x128xi32>
    %and3A_532 = arith.andi %bitcast_convert_type3A_529, %and3A_531 : vector<256x128xi32>
    %add3A_533 = arith.constant 2304 : i32
    %add3A_534 = vector.broadcast %add3A_533 : i32 to vector<256x128xi32>
    %add3A_535 = arith.addi %iota3A, %add3A_534 : vector<256x128xi32>
    %or3A_536 = arith.ori %and3A_532, %add3A_535 : vector<256x128xi32>
    %bitcast_convert_type3A_537 = tpu.bitcast %or3A_536 : vector<256x128xi32> -> vector<256x128xf32>
    %min3A_538 = arith.minimumf %min3A_525, %bitcast_convert_type3A_537 : vector<256x128xf32>
    %max3A_539 = arith.maximumf %min3A_525, %bitcast_convert_type3A_537 : vector<256x128xf32>
    %min3A_540 = arith.minimumf %min3A_527, %max3A_539 : vector<256x128xf32>
    %slice3A_541 = vector.extract_strided_slice %dot_general3A_11 {offsets = [0, 2432], sizes = [256, 128], strides = [1, 1]} : vector<256x4096xf32> to vector<256x128xf32>
    %bitcast_convert_type3A_542 = tpu.bitcast %slice3A_541 : vector<256x128xf32> -> vector<256x128xi32>
    %and3A_543 = arith.constant -4096 : i32
    %and3A_544 = vector.broadcast %and3A_543 : i32 to vector<256x128xi32>
    %and3A_545 = arith.andi %bitcast_convert_type3A_542, %and3A_544 : vector<256x128xi32>
    %add3A_546 = arith.constant 2432 : i32
    %add3A_547 = vector.broadcast %add3A_546 : i32 to vector<256x128xi32>
    %add3A_548 = arith.addi %iota3A, %add3A_547 : vector<256x128xi32>
    %or3A_549 = arith.ori %and3A_545, %add3A_548 : vector<256x128xi32>
    %bitcast_convert_type3A_550 = tpu.bitcast %or3A_549 : vector<256x128xi32> -> vector<256x128xf32>
    %min3A_551 = arith.minimumf %min3A_538, %bitcast_convert_type3A_550 : vector<256x128xf32>
    %max3A_552 = arith.maximumf %min3A_538, %bitcast_convert_type3A_550 : vector<256x128xf32>
    %min3A_553 = arith.minimumf %min3A_540, %max3A_552 : vector<256x128xf32>
    %slice3A_554 = vector.extract_strided_slice %dot_general3A_11 {offsets = [0, 2560], sizes = [256, 128], strides = [1, 1]} : vector<256x4096xf32> to vector<256x128xf32>
    %bitcast_convert_type3A_555 = tpu.bitcast %slice3A_554 : vector<256x128xf32> -> vector<256x128xi32>
    %and3A_556 = arith.constant -4096 : i32
    %and3A_557 = vector.broadcast %and3A_556 : i32 to vector<256x128xi32>
    %and3A_558 = arith.andi %bitcast_convert_type3A_555, %and3A_557 : vector<256x128xi32>
    %add3A_559 = arith.constant 2560 : i32
    %add3A_560 = vector.broadcast %add3A_559 : i32 to vector<256x128xi32>
    %add3A_561 = arith.addi %iota3A, %add3A_560 : vector<256x128xi32>
    %or3A_562 = arith.ori %and3A_558, %add3A_561 : vector<256x128xi32>
    %bitcast_convert_type3A_563 = tpu.bitcast %or3A_562 : vector<256x128xi32> -> vector<256x128xf32>
    %min3A_564 = arith.minimumf %min3A_551, %bitcast_convert_type3A_563 : vector<256x128xf32>
    %max3A_565 = arith.maximumf %min3A_551, %bitcast_convert_type3A_563 : vector<256x128xf32>
    %min3A_566 = arith.minimumf %min3A_553, %max3A_565 : vector<256x128xf32>
    %slice3A_567 = vector.extract_strided_slice %dot_general3A_11 {offsets = [0, 2688], sizes = [256, 128], strides = [1, 1]} : vector<256x4096xf32> to vector<256x128xf32>
    %bitcast_convert_type3A_568 = tpu.bitcast %slice3A_567 : vector<256x128xf32> -> vector<256x128xi32>
    %and3A_569 = arith.constant -4096 : i32
    %and3A_570 = vector.broadcast %and3A_569 : i32 to vector<256x128xi32>
    %and3A_571 = arith.andi %bitcast_convert_type3A_568, %and3A_570 : vector<256x128xi32>
    %add3A_572 = arith.constant 2688 : i32
    %add3A_573 = vector.broadcast %add3A_572 : i32 to vector<256x128xi32>
    %add3A_574 = arith.addi %iota3A, %add3A_573 : vector<256x128xi32>
    %or3A_575 = arith.ori %and3A_571, %add3A_574 : vector<256x128xi32>
    %bitcast_convert_type3A_576 = tpu.bitcast %or3A_575 : vector<256x128xi32> -> vector<256x128xf32>
    %min3A_577 = arith.minimumf %min3A_564, %bitcast_convert_type3A_576 : vector<256x128xf32>
    %max3A_578 = arith.maximumf %min3A_564, %bitcast_convert_type3A_576 : vector<256x128xf32>
    %min3A_579 = arith.minimumf %min3A_566, %max3A_578 : vector<256x128xf32>
    %slice3A_580 = vector.extract_strided_slice %dot_general3A_11 {offsets = [0, 2816], sizes = [256, 128], strides = [1, 1]} : vector<256x4096xf32> to vector<256x128xf32>
    %bitcast_convert_type3A_581 = tpu.bitcast %slice3A_580 : vector<256x128xf32> -> vector<256x128xi32>
    %and3A_582 = arith.constant -4096 : i32
    %and3A_583 = vector.broadcast %and3A_582 : i32 to vector<256x128xi32>
    %and3A_584 = arith.andi %bitcast_convert_type3A_581, %and3A_583 : vector<256x128xi32>
    %add3A_585 = arith.constant 2816 : i32
    %add3A_586 = vector.broadcast %add3A_585 : i32 to vector<256x128xi32>
    %add3A_587 = arith.addi %iota3A, %add3A_586 : vector<256x128xi32>
    %or3A_588 = arith.ori %and3A_584, %add3A_587 : vector<256x128xi32>
    %bitcast_convert_type3A_589 = tpu.bitcast %or3A_588 : vector<256x128xi32> -> vector<256x128xf32>
    %min3A_590 = arith.minimumf %min3A_577, %bitcast_convert_type3A_589 : vector<256x128xf32>
    %max3A_591 = arith.maximumf %min3A_577, %bitcast_convert_type3A_589 : vector<256x128xf32>
    %min3A_592 = arith.minimumf %min3A_579, %max3A_591 : vector<256x128xf32>
    %slice3A_593 = vector.extract_strided_slice %dot_general3A_11 {offsets = [0, 2944], sizes = [256, 128], strides = [1, 1]} : vector<256x4096xf32> to vector<256x128xf32>
    %bitcast_convert_type3A_594 = tpu.bitcast %slice3A_593 : vector<256x128xf32> -> vector<256x128xi32>
    %and3A_595 = arith.constant -4096 : i32
    %and3A_596 = vector.broadcast %and3A_595 : i32 to vector<256x128xi32>
    %and3A_597 = arith.andi %bitcast_convert_type3A_594, %and3A_596 : vector<256x128xi32>
    %add3A_598 = arith.constant 2944 : i32
    %add3A_599 = vector.broadcast %add3A_598 : i32 to vector<256x128xi32>
    %add3A_600 = arith.addi %iota3A, %add3A_599 : vector<256x128xi32>
    %or3A_601 = arith.ori %and3A_597, %add3A_600 : vector<256x128xi32>
    %bitcast_convert_type3A_602 = tpu.bitcast %or3A_601 : vector<256x128xi32> -> vector<256x128xf32>
    %min3A_603 = arith.minimumf %min3A_590, %bitcast_convert_type3A_602 : vector<256x128xf32>
    %max3A_604 = arith.maximumf %min3A_590, %bitcast_convert_type3A_602 : vector<256x128xf32>
    %min3A_605 = arith.minimumf %min3A_592, %max3A_604 : vector<256x128xf32>
    %slice3A_606 = vector.extract_strided_slice %dot_general3A_11 {offsets = [0, 3072], sizes = [256, 128], strides = [1, 1]} : vector<256x4096xf32> to vector<256x128xf32>
    %bitcast_convert_type3A_607 = tpu.bitcast %slice3A_606 : vector<256x128xf32> -> vector<256x128xi32>
    %and3A_608 = arith.constant -4096 : i32
    %and3A_609 = vector.broadcast %and3A_608 : i32 to vector<256x128xi32>
    %and3A_610 = arith.andi %bitcast_convert_type3A_607, %and3A_609 : vector<256x128xi32>
    %add3A_611 = arith.constant 3072 : i32
    %add3A_612 = vector.broadcast %add3A_611 : i32 to vector<256x128xi32>
    %add3A_613 = arith.addi %iota3A, %add3A_612 : vector<256x128xi32>
    %or3A_614 = arith.ori %and3A_610, %add3A_613 : vector<256x128xi32>
    %bitcast_convert_type3A_615 = tpu.bitcast %or3A_614 : vector<256x128xi32> -> vector<256x128xf32>
    %min3A_616 = arith.minimumf %min3A_603, %bitcast_convert_type3A_615 : vector<256x128xf32>
    %max3A_617 = arith.maximumf %min3A_603, %bitcast_convert_type3A_615 : vector<256x128xf32>
    %min3A_618 = arith.minimumf %min3A_605, %max3A_617 : vector<256x128xf32>
    %slice3A_619 = vector.extract_strided_slice %dot_general3A_11 {offsets = [0, 3200], sizes = [256, 128], strides = [1, 1]} : vector<256x4096xf32> to vector<256x128xf32>
    %bitcast_convert_type3A_620 = tpu.bitcast %slice3A_619 : vector<256x128xf32> -> vector<256x128xi32>
    %and3A_621 = arith.constant -4096 : i32
    %and3A_622 = vector.broadcast %and3A_621 : i32 to vector<256x128xi32>
    %and3A_623 = arith.andi %bitcast_convert_type3A_620, %and3A_622 : vector<256x128xi32>
    %add3A_624 = arith.constant 3200 : i32
    %add3A_625 = vector.broadcast %add3A_624 : i32 to vector<256x128xi32>
    %add3A_626 = arith.addi %iota3A, %add3A_625 : vector<256x128xi32>
    %or3A_627 = arith.ori %and3A_623, %add3A_626 : vector<256x128xi32>
    %bitcast_convert_type3A_628 = tpu.bitcast %or3A_627 : vector<256x128xi32> -> vector<256x128xf32>
    %min3A_629 = arith.minimumf %min3A_616, %bitcast_convert_type3A_628 : vector<256x128xf32>
    %max3A_630 = arith.maximumf %min3A_616, %bitcast_convert_type3A_628 : vector<256x128xf32>
    %min3A_631 = arith.minimumf %min3A_618, %max3A_630 : vector<256x128xf32>
    %slice3A_632 = vector.extract_strided_slice %dot_general3A_11 {offsets = [0, 3328], sizes = [256, 128], strides = [1, 1]} : vector<256x4096xf32> to vector<256x128xf32>
    %bitcast_convert_type3A_633 = tpu.bitcast %slice3A_632 : vector<256x128xf32> -> vector<256x128xi32>
    %and3A_634 = arith.constant -4096 : i32
    %and3A_635 = vector.broadcast %and3A_634 : i32 to vector<256x128xi32>
    %and3A_636 = arith.andi %bitcast_convert_type3A_633, %and3A_635 : vector<256x128xi32>
    %add3A_637 = arith.constant 3328 : i32
    %add3A_638 = vector.broadcast %add3A_637 : i32 to vector<256x128xi32>
    %add3A_639 = arith.addi %iota3A, %add3A_638 : vector<256x128xi32>
    %or3A_640 = arith.ori %and3A_636, %add3A_639 : vector<256x128xi32>
    %bitcast_convert_type3A_641 = tpu.bitcast %or3A_640 : vector<256x128xi32> -> vector<256x128xf32>
    %min3A_642 = arith.minimumf %min3A_629, %bitcast_convert_type3A_641 : vector<256x128xf32>
    %max3A_643 = arith.maximumf %min3A_629, %bitcast_convert_type3A_641 : vector<256x128xf32>
    %min3A_644 = arith.minimumf %min3A_631, %max3A_643 : vector<256x128xf32>
    %slice3A_645 = vector.extract_strided_slice %dot_general3A_11 {offsets = [0, 3456], sizes = [256, 128], strides = [1, 1]} : vector<256x4096xf32> to vector<256x128xf32>
    %bitcast_convert_type3A_646 = tpu.bitcast %slice3A_645 : vector<256x128xf32> -> vector<256x128xi32>
    %and3A_647 = arith.constant -4096 : i32
    %and3A_648 = vector.broadcast %and3A_647 : i32 to vector<256x128xi32>
    %and3A_649 = arith.andi %bitcast_convert_type3A_646, %and3A_648 : vector<256x128xi32>
    %add3A_650 = arith.constant 3456 : i32
    %add3A_651 = vector.broadcast %add3A_650 : i32 to vector<256x128xi32>
    %add3A_652 = arith.addi %iota3A, %add3A_651 : vector<256x128xi32>
    %or3A_653 = arith.ori %and3A_649, %add3A_652 : vector<256x128xi32>
    %bitcast_convert_type3A_654 = tpu.bitcast %or3A_653 : vector<256x128xi32> -> vector<256x128xf32>
    %min3A_655 = arith.minimumf %min3A_642, %bitcast_convert_type3A_654 : vector<256x128xf32>
    %max3A_656 = arith.maximumf %min3A_642, %bitcast_convert_type3A_654 : vector<256x128xf32>
    %min3A_657 = arith.minimumf %min3A_644, %max3A_656 : vector<256x128xf32>
    %slice3A_658 = vector.extract_strided_slice %dot_general3A_11 {offsets = [0, 3584], sizes = [256, 128], strides = [1, 1]} : vector<256x4096xf32> to vector<256x128xf32>
    %bitcast_convert_type3A_659 = tpu.bitcast %slice3A_658 : vector<256x128xf32> -> vector<256x128xi32>
    %and3A_660 = arith.constant -4096 : i32
    %and3A_661 = vector.broadcast %and3A_660 : i32 to vector<256x128xi32>
    %and3A_662 = arith.andi %bitcast_convert_type3A_659, %and3A_661 : vector<256x128xi32>
    %add3A_663 = arith.constant 3584 : i32
    %add3A_664 = vector.broadcast %add3A_663 : i32 to vector<256x128xi32>
    %add3A_665 = arith.addi %iota3A, %add3A_664 : vector<256x128xi32>
    %or3A_666 = arith.ori %and3A_662, %add3A_665 : vector<256x128xi32>
    %bitcast_convert_type3A_667 = tpu.bitcast %or3A_666 : vector<256x128xi32> -> vector<256x128xf32>
    %min3A_668 = arith.minimumf %min3A_655, %bitcast_convert_type3A_667 : vector<256x128xf32>
    %max3A_669 = arith.maximumf %min3A_655, %bitcast_convert_type3A_667 : vector<256x128xf32>
    %min3A_670 = arith.minimumf %min3A_657, %max3A_669 : vector<256x128xf32>
    %slice3A_671 = vector.extract_strided_slice %dot_general3A_11 {offsets = [0, 3712], sizes = [256, 128], strides = [1, 1]} : vector<256x4096xf32> to vector<256x128xf32>
    %bitcast_convert_type3A_672 = tpu.bitcast %slice3A_671 : vector<256x128xf32> -> vector<256x128xi32>
    %and3A_673 = arith.constant -4096 : i32
    %and3A_674 = vector.broadcast %and3A_673 : i32 to vector<256x128xi32>
    %and3A_675 = arith.andi %bitcast_convert_type3A_672, %and3A_674 : vector<256x128xi32>
    %add3A_676 = arith.constant 3712 : i32
    %add3A_677 = vector.broadcast %add3A_676 : i32 to vector<256x128xi32>
    %add3A_678 = arith.addi %iota3A, %add3A_677 : vector<256x128xi32>
    %or3A_679 = arith.ori %and3A_675, %add3A_678 : vector<256x128xi32>
    %bitcast_convert_type3A_680 = tpu.bitcast %or3A_679 : vector<256x128xi32> -> vector<256x128xf32>
    %min3A_681 = arith.minimumf %min3A_668, %bitcast_convert_type3A_680 : vector<256x128xf32>
    %max3A_682 = arith.maximumf %min3A_668, %bitcast_convert_type3A_680 : vector<256x128xf32>
    %min3A_683 = arith.minimumf %min3A_670, %max3A_682 : vector<256x128xf32>
    %slice3A_684 = vector.extract_strided_slice %dot_general3A_11 {offsets = [0, 3840], sizes = [256, 128], strides = [1, 1]} : vector<256x4096xf32> to vector<256x128xf32>
    %bitcast_convert_type3A_685 = tpu.bitcast %slice3A_684 : vector<256x128xf32> -> vector<256x128xi32>
    %and3A_686 = arith.constant -4096 : i32
    %and3A_687 = vector.broadcast %and3A_686 : i32 to vector<256x128xi32>
    %and3A_688 = arith.andi %bitcast_convert_type3A_685, %and3A_687 : vector<256x128xi32>
    %add3A_689 = arith.constant 3840 : i32
    %add3A_690 = vector.broadcast %add3A_689 : i32 to vector<256x128xi32>
    %add3A_691 = arith.addi %iota3A, %add3A_690 : vector<256x128xi32>
    %or3A_692 = arith.ori %and3A_688, %add3A_691 : vector<256x128xi32>
    %bitcast_convert_type3A_693 = tpu.bitcast %or3A_692 : vector<256x128xi32> -> vector<256x128xf32>
    %min3A_694 = arith.minimumf %min3A_681, %bitcast_convert_type3A_693 : vector<256x128xf32>
    %max3A_695 = arith.maximumf %min3A_681, %bitcast_convert_type3A_693 : vector<256x128xf32>
    %min3A_696 = arith.minimumf %min3A_683, %max3A_695 : vector<256x128xf32>
    %slice3A_697 = vector.extract_strided_slice %dot_general3A_11 {offsets = [0, 3968], sizes = [256, 128], strides = [1, 1]} : vector<256x4096xf32> to vector<256x128xf32>
    %bitcast_convert_type3A_698 = tpu.bitcast %slice3A_697 : vector<256x128xf32> -> vector<256x128xi32>
    %and3A_699 = arith.constant -4096 : i32
    %and3A_700 = vector.broadcast %and3A_699 : i32 to vector<256x128xi32>
    %and3A_701 = arith.andi %bitcast_convert_type3A_698, %and3A_700 : vector<256x128xi32>
    %add3A_702 = arith.constant 3968 : i32
    %add3A_703 = vector.broadcast %add3A_702 : i32 to vector<256x128xi32>
    %add3A_704 = arith.addi %iota3A, %add3A_703 : vector<256x128xi32>
    %or3A_705 = arith.ori %and3A_701, %add3A_704 : vector<256x128xi32>
    %bitcast_convert_type3A_706 = tpu.bitcast %or3A_705 : vector<256x128xi32> -> vector<256x128xf32>
    %min3A_707 = arith.minimumf %min3A_694, %bitcast_convert_type3A_706 : vector<256x128xf32>
    %max3A_708 = arith.maximumf %min3A_694, %bitcast_convert_type3A_706 : vector<256x128xf32>
    %min3A_709 = arith.minimumf %min3A_696, %max3A_708 : vector<256x128xf32>
    %reduce_min3A = arith.constant dense<0x7F800000> : vector<256xf32>
    %reduce_min3A_710 = vector.multi_reduction <minimumf>, %min3A_707, %reduce_min3A [1] : vector<256x128xf32> to vector<256xf32>
    %broadcast_in_dim3A_711 = vector.shape_cast %reduce_min3A_710 : vector<256xf32> to vector<256x1xf32>
    %eq3A = vector.broadcast %broadcast_in_dim3A_711 : vector<256x1xf32> to vector<256x128xf32>
    %eq3A_712 = arith.cmpf oeq, %min3A_707, %eq3A : vector<256x128xf32>
    %select_n3A = arith.select %eq3A_712, %min3A_709, %min3A_707 : vector<256x128xi1>, vector<256x128xf32>
    %jit3A = arith.constant 3.000000e+38 : f32
    %broadcast_in_dim3A_713 = vector.broadcast %jit3A : f32 to vector<256x128xf32>
    %select_n3A_714 = arith.select %eq3A_712, %broadcast_in_dim3A_713, %min3A_709 : vector<256x128xi1>, vector<256x128xf32>
    %reduce_min3A_715 = arith.constant dense<0x7F800000> : vector<256xf32>
    %reduce_min3A_716 = vector.multi_reduction <minimumf>, %select_n3A, %reduce_min3A_715 [1] : vector<256x128xf32> to vector<256xf32>
    %broadcast_in_dim3A_717 = vector.shape_cast %reduce_min3A_716 : vector<256xf32> to vector<256x1xf32>
    %eq3A_718 = vector.broadcast %broadcast_in_dim3A_717 : vector<256x1xf32> to vector<256x128xf32>
    %eq3A_719 = arith.cmpf oeq, %select_n3A, %eq3A_718 : vector<256x128xf32>
    %select_n3A_720 = arith.select %eq3A_719, %select_n3A_714, %select_n3A : vector<256x128xi1>, vector<256x128xf32>
    %jit3A_721 = arith.constant 3.000000e+38 : f32
    %broadcast_in_dim3A_722 = vector.broadcast %jit3A_721 : f32 to vector<256x128xf32>
    %select_n3A_723 = arith.select %eq3A_719, %broadcast_in_dim3A_722, %select_n3A_714 : vector<256x128xi1>, vector<256x128xf32>
    %reduce_min3A_724 = arith.constant dense<0x7F800000> : vector<256xf32>
    %reduce_min3A_725 = vector.multi_reduction <minimumf>, %select_n3A_720, %reduce_min3A_724 [1] : vector<256x128xf32> to vector<256xf32>
    %broadcast_in_dim3A_726 = vector.shape_cast %reduce_min3A_725 : vector<256xf32> to vector<256x1xf32>
    %eq3A_727 = vector.broadcast %broadcast_in_dim3A_726 : vector<256x1xf32> to vector<256x128xf32>
    %eq3A_728 = arith.cmpf oeq, %select_n3A_720, %eq3A_727 : vector<256x128xf32>
    %select_n3A_729 = arith.select %eq3A_728, %select_n3A_723, %select_n3A_720 : vector<256x128xi1>, vector<256x128xf32>
    %jit3A_730 = arith.constant 3.000000e+38 : f32
    %broadcast_in_dim3A_731 = vector.broadcast %jit3A_730 : f32 to vector<256x128xf32>
    %select_n3A_732 = arith.select %eq3A_728, %broadcast_in_dim3A_731, %select_n3A_723 : vector<256x128xi1>, vector<256x128xf32>
    %reduce_min3A_733 = arith.constant dense<0x7F800000> : vector<256xf32>
    %reduce_min3A_734 = vector.multi_reduction <minimumf>, %select_n3A_729, %reduce_min3A_733 [1] : vector<256x128xf32> to vector<256xf32>
    %broadcast_in_dim3A_735 = vector.shape_cast %reduce_min3A_734 : vector<256xf32> to vector<256x1xf32>
    %eq3A_736 = vector.broadcast %broadcast_in_dim3A_735 : vector<256x1xf32> to vector<256x128xf32>
    %eq3A_737 = arith.cmpf oeq, %select_n3A_729, %eq3A_736 : vector<256x128xf32>
    %select_n3A_738 = arith.select %eq3A_737, %select_n3A_732, %select_n3A_729 : vector<256x128xi1>, vector<256x128xf32>
    %jit3A_739 = arith.constant 3.000000e+38 : f32
    %broadcast_in_dim3A_740 = vector.broadcast %jit3A_739 : f32 to vector<256x128xf32>
    %select_n3A_741 = arith.select %eq3A_737, %broadcast_in_dim3A_740, %select_n3A_732 : vector<256x128xi1>, vector<256x128xf32>
    %reduce_min3A_742 = arith.constant dense<0x7F800000> : vector<256xf32>
    %reduce_min3A_743 = vector.multi_reduction <minimumf>, %select_n3A_738, %reduce_min3A_742 [1] : vector<256x128xf32> to vector<256xf32>
    %broadcast_in_dim3A_744 = vector.shape_cast %reduce_min3A_743 : vector<256xf32> to vector<256x1xf32>
    %eq3A_745 = vector.broadcast %broadcast_in_dim3A_744 : vector<256x1xf32> to vector<256x128xf32>
    %eq3A_746 = arith.cmpf oeq, %select_n3A_738, %eq3A_745 : vector<256x128xf32>
    %select_n3A_747 = arith.select %eq3A_746, %select_n3A_741, %select_n3A_738 : vector<256x128xi1>, vector<256x128xf32>
    %jit3A_748 = arith.constant 3.000000e+38 : f32
    %broadcast_in_dim3A_749 = vector.broadcast %jit3A_748 : f32 to vector<256x128xf32>
    %select_n3A_750 = arith.select %eq3A_746, %broadcast_in_dim3A_749, %select_n3A_741 : vector<256x128xi1>, vector<256x128xf32>
    %reduce_min3A_751 = arith.constant dense<0x7F800000> : vector<256xf32>
    %reduce_min3A_752 = vector.multi_reduction <minimumf>, %select_n3A_747, %reduce_min3A_751 [1] : vector<256x128xf32> to vector<256xf32>
    %broadcast_in_dim3A_753 = vector.shape_cast %reduce_min3A_752 : vector<256xf32> to vector<256x1xf32>
    %eq3A_754 = vector.broadcast %broadcast_in_dim3A_753 : vector<256x1xf32> to vector<256x128xf32>
    %eq3A_755 = arith.cmpf oeq, %select_n3A_747, %eq3A_754 : vector<256x128xf32>
    %select_n3A_756 = arith.select %eq3A_755, %select_n3A_750, %select_n3A_747 : vector<256x128xi1>, vector<256x128xf32>
    %jit3A_757 = arith.constant 3.000000e+38 : f32
    %broadcast_in_dim3A_758 = vector.broadcast %jit3A_757 : f32 to vector<256x128xf32>
    %select_n3A_759 = arith.select %eq3A_755, %broadcast_in_dim3A_758, %select_n3A_750 : vector<256x128xi1>, vector<256x128xf32>
    %reduce_min3A_760 = arith.constant dense<0x7F800000> : vector<256xf32>
    %reduce_min3A_761 = vector.multi_reduction <minimumf>, %select_n3A_756, %reduce_min3A_760 [1] : vector<256x128xf32> to vector<256xf32>
    %broadcast_in_dim3A_762 = vector.shape_cast %reduce_min3A_761 : vector<256xf32> to vector<256x1xf32>
    %eq3A_763 = vector.broadcast %broadcast_in_dim3A_762 : vector<256x1xf32> to vector<256x128xf32>
    %eq3A_764 = arith.cmpf oeq, %select_n3A_756, %eq3A_763 : vector<256x128xf32>
    %select_n3A_765 = arith.select %eq3A_764, %select_n3A_759, %select_n3A_756 : vector<256x128xi1>, vector<256x128xf32>
    %jit3A_766 = arith.constant 3.000000e+38 : f32
    %broadcast_in_dim3A_767 = vector.broadcast %jit3A_766 : f32 to vector<256x128xf32>
    %select_n3A_768 = arith.select %eq3A_764, %broadcast_in_dim3A_767, %select_n3A_759 : vector<256x128xi1>, vector<256x128xf32>
    %reduce_min3A_769 = arith.constant dense<0x7F800000> : vector<256xf32>
    %reduce_min3A_770 = vector.multi_reduction <minimumf>, %select_n3A_765, %reduce_min3A_769 [1] : vector<256x128xf32> to vector<256xf32>
    %broadcast_in_dim3A_771 = vector.shape_cast %reduce_min3A_770 : vector<256xf32> to vector<256x1xf32>
    %eq3A_772 = vector.broadcast %broadcast_in_dim3A_771 : vector<256x1xf32> to vector<256x128xf32>
    %eq3A_773 = arith.cmpf oeq, %select_n3A_765, %eq3A_772 : vector<256x128xf32>
    %select_n3A_774 = arith.select %eq3A_773, %select_n3A_768, %select_n3A_765 : vector<256x128xi1>, vector<256x128xf32>
    %jit3A_775 = arith.constant 3.000000e+38 : f32
    %broadcast_in_dim3A_776 = vector.broadcast %jit3A_775 : f32 to vector<256x128xf32>
    %select_n3A_777 = arith.select %eq3A_773, %broadcast_in_dim3A_776, %select_n3A_768 : vector<256x128xi1>, vector<256x128xf32>
    %reduce_min3A_778 = arith.constant dense<0x7F800000> : vector<256xf32>
    %reduce_min3A_779 = vector.multi_reduction <minimumf>, %select_n3A_774, %reduce_min3A_778 [1] : vector<256x128xf32> to vector<256xf32>
    %broadcast_in_dim3A_780 = vector.shape_cast %reduce_min3A_779 : vector<256xf32> to vector<256x1xf32>
    %eq3A_781 = vector.broadcast %broadcast_in_dim3A_780 : vector<256x1xf32> to vector<256x128xf32>
    %eq3A_782 = arith.cmpf oeq, %select_n3A_774, %eq3A_781 : vector<256x128xf32>
    %select_n3A_783 = arith.select %eq3A_782, %select_n3A_777, %select_n3A_774 : vector<256x128xi1>, vector<256x128xf32>
    %jit3A_784 = arith.constant 3.000000e+38 : f32
    %broadcast_in_dim3A_785 = vector.broadcast %jit3A_784 : f32 to vector<256x128xf32>
    %select_n3A_786 = arith.select %eq3A_782, %broadcast_in_dim3A_785, %select_n3A_777 : vector<256x128xi1>, vector<256x128xf32>
    %reduce_min3A_787 = arith.constant dense<0x7F800000> : vector<256xf32>
    %reduce_min3A_788 = vector.multi_reduction <minimumf>, %select_n3A_783, %reduce_min3A_787 [1] : vector<256x128xf32> to vector<256xf32>
    %broadcast_in_dim3A_789 = vector.shape_cast %reduce_min3A_788 : vector<256xf32> to vector<256x1xf32>
    %eq3A_790 = vector.broadcast %broadcast_in_dim3A_789 : vector<256x1xf32> to vector<256x128xf32>
    %eq3A_791 = arith.cmpf oeq, %select_n3A_783, %eq3A_790 : vector<256x128xf32>
    %select_n3A_792 = arith.select %eq3A_791, %select_n3A_786, %select_n3A_783 : vector<256x128xi1>, vector<256x128xf32>
    %jit3A_793 = arith.constant 3.000000e+38 : f32
    %broadcast_in_dim3A_794 = vector.broadcast %jit3A_793 : f32 to vector<256x128xf32>
    %select_n3A_795 = arith.select %eq3A_791, %broadcast_in_dim3A_794, %select_n3A_786 : vector<256x128xi1>, vector<256x128xf32>
    %reduce_min3A_796 = arith.constant dense<0x7F800000> : vector<256xf32>
    %reduce_min3A_797 = vector.multi_reduction <minimumf>, %select_n3A_792, %reduce_min3A_796 [1] : vector<256x128xf32> to vector<256xf32>
    %broadcast_in_dim3A_798 = vector.shape_cast %reduce_min3A_797 : vector<256xf32> to vector<256x1xf32>
    %eq3A_799 = vector.broadcast %broadcast_in_dim3A_798 : vector<256x1xf32> to vector<256x128xf32>
    %eq3A_800 = arith.cmpf oeq, %select_n3A_792, %eq3A_799 : vector<256x128xf32>
    %select_n3A_801 = arith.select %eq3A_800, %select_n3A_795, %select_n3A_792 : vector<256x128xi1>, vector<256x128xf32>
    %jit3A_802 = arith.constant 3.000000e+38 : f32
    %broadcast_in_dim3A_803 = vector.broadcast %jit3A_802 : f32 to vector<256x128xf32>
    %select_n3A_804 = arith.select %eq3A_800, %broadcast_in_dim3A_803, %select_n3A_795 : vector<256x128xi1>, vector<256x128xf32>
    %reduce_min3A_805 = arith.constant dense<0x7F800000> : vector<256xf32>
    %reduce_min3A_806 = vector.multi_reduction <minimumf>, %select_n3A_801, %reduce_min3A_805 [1] : vector<256x128xf32> to vector<256xf32>
    %broadcast_in_dim3A_807 = vector.shape_cast %reduce_min3A_806 : vector<256xf32> to vector<256x1xf32>
    %eq3A_808 = vector.broadcast %broadcast_in_dim3A_807 : vector<256x1xf32> to vector<256x128xf32>
    %eq3A_809 = arith.cmpf oeq, %select_n3A_801, %eq3A_808 : vector<256x128xf32>
    %select_n3A_810 = arith.select %eq3A_809, %select_n3A_804, %select_n3A_801 : vector<256x128xi1>, vector<256x128xf32>
    %jit3A_811 = arith.constant 3.000000e+38 : f32
    %broadcast_in_dim3A_812 = vector.broadcast %jit3A_811 : f32 to vector<256x128xf32>
    %select_n3A_813 = arith.select %eq3A_809, %broadcast_in_dim3A_812, %select_n3A_804 : vector<256x128xi1>, vector<256x128xf32>
    %reduce_min3A_814 = arith.constant dense<0x7F800000> : vector<256xf32>
    %reduce_min3A_815 = vector.multi_reduction <minimumf>, %select_n3A_810, %reduce_min3A_814 [1] : vector<256x128xf32> to vector<256xf32>
    %broadcast_in_dim3A_816 = vector.shape_cast %reduce_min3A_815 : vector<256xf32> to vector<256x1xf32>
    %eq3A_817 = vector.broadcast %broadcast_in_dim3A_816 : vector<256x1xf32> to vector<256x128xf32>
    %eq3A_818 = arith.cmpf oeq, %select_n3A_810, %eq3A_817 : vector<256x128xf32>
    %select_n3A_819 = arith.select %eq3A_818, %select_n3A_813, %select_n3A_810 : vector<256x128xi1>, vector<256x128xf32>
    %jit3A_820 = arith.constant 3.000000e+38 : f32
    %broadcast_in_dim3A_821 = vector.broadcast %jit3A_820 : f32 to vector<256x128xf32>
    %select_n3A_822 = arith.select %eq3A_818, %broadcast_in_dim3A_821, %select_n3A_813 : vector<256x128xi1>, vector<256x128xf32>
    %reduce_min3A_823 = arith.constant dense<0x7F800000> : vector<256xf32>
    %reduce_min3A_824 = vector.multi_reduction <minimumf>, %select_n3A_819, %reduce_min3A_823 [1] : vector<256x128xf32> to vector<256xf32>
    %broadcast_in_dim3A_825 = vector.shape_cast %reduce_min3A_824 : vector<256xf32> to vector<256x1xf32>
    %eq3A_826 = vector.broadcast %broadcast_in_dim3A_825 : vector<256x1xf32> to vector<256x128xf32>
    %eq3A_827 = arith.cmpf oeq, %select_n3A_819, %eq3A_826 : vector<256x128xf32>
    %select_n3A_828 = arith.select %eq3A_827, %select_n3A_822, %select_n3A_819 : vector<256x128xi1>, vector<256x128xf32>
    %jit3A_829 = arith.constant 3.000000e+38 : f32
    %broadcast_in_dim3A_830 = vector.broadcast %jit3A_829 : f32 to vector<256x128xf32>
    %select_n3A_831 = arith.select %eq3A_827, %broadcast_in_dim3A_830, %select_n3A_822 : vector<256x128xi1>, vector<256x128xf32>
    %reduce_min3A_832 = arith.constant dense<0x7F800000> : vector<256xf32>
    %reduce_min3A_833 = vector.multi_reduction <minimumf>, %select_n3A_828, %reduce_min3A_832 [1] : vector<256x128xf32> to vector<256xf32>
    %broadcast_in_dim3A_834 = vector.shape_cast %reduce_min3A_833 : vector<256xf32> to vector<256x1xf32>
    %eq3A_835 = vector.broadcast %broadcast_in_dim3A_834 : vector<256x1xf32> to vector<256x128xf32>
    %eq3A_836 = arith.cmpf oeq, %select_n3A_828, %eq3A_835 : vector<256x128xf32>
    %select_n3A_837 = arith.select %eq3A_836, %select_n3A_831, %select_n3A_828 : vector<256x128xi1>, vector<256x128xf32>
    %jit3A_838 = arith.constant 3.000000e+38 : f32
    %broadcast_in_dim3A_839 = vector.broadcast %jit3A_838 : f32 to vector<256x128xf32>
    %select_n3A_840 = arith.select %eq3A_836, %broadcast_in_dim3A_839, %select_n3A_831 : vector<256x128xi1>, vector<256x128xf32>
    %reduce_min3A_841 = arith.constant dense<0x7F800000> : vector<256xf32>
    %reduce_min3A_842 = vector.multi_reduction <minimumf>, %select_n3A_837, %reduce_min3A_841 [1] : vector<256x128xf32> to vector<256xf32>
    %broadcast_in_dim3A_843 = vector.shape_cast %reduce_min3A_842 : vector<256xf32> to vector<256x1xf32>
    %eq3A_844 = vector.broadcast %broadcast_in_dim3A_843 : vector<256x1xf32> to vector<256x128xf32>
    %eq3A_845 = arith.cmpf oeq, %select_n3A_837, %eq3A_844 : vector<256x128xf32>
    %select_n3A_846 = arith.select %eq3A_845, %select_n3A_840, %select_n3A_837 : vector<256x128xi1>, vector<256x128xf32>
    %reduce_min3A_847 = arith.constant dense<0x7F800000> : vector<256xf32>
    %reduce_min3A_848 = vector.multi_reduction <minimumf>, %select_n3A_846, %reduce_min3A_847 [1] : vector<256x128xf32> to vector<256xf32>
    %broadcast_in_dim3A_849 = vector.shape_cast %reduce_min3A_848 : vector<256xf32> to vector<256x1xf32>
    %concatenate3A_850 = tpu.concatenate %broadcast_in_dim3A_717, %broadcast_in_dim3A_726, %broadcast_in_dim3A_735, %broadcast_in_dim3A_744, %broadcast_in_dim3A_753, %broadcast_in_dim3A_762, %broadcast_in_dim3A_771, %broadcast_in_dim3A_780, %broadcast_in_dim3A_789, %broadcast_in_dim3A_798, %broadcast_in_dim3A_807, %broadcast_in_dim3A_816, %broadcast_in_dim3A_825, %broadcast_in_dim3A_834, %broadcast_in_dim3A_843, %broadcast_in_dim3A_849 in 1 : vector<256x1xf32>, vector<256x1xf32>, vector<256x1xf32>, vector<256x1xf32>, vector<256x1xf32>, vector<256x1xf32>, vector<256x1xf32>, vector<256x1xf32>, vector<256x1xf32>, vector<256x1xf32>, vector<256x1xf32>, vector<256x1xf32>, vector<256x1xf32>, vector<256x1xf32>, vector<256x1xf32>, vector<256x1xf32> -> vector<256x16xf32>
    %transpose3A = tpu.transpose %concatenate3A_850, [1, 0] : vector<256x16xf32> -> vector<16x256xf32>
    %bitcast_convert_type3A_851 = tpu.bitcast %transpose3A : vector<16x256xf32> -> vector<16x256xi32>
    %mul3A_852 = arith.constant 256 : i32
    %mul3A_853 = arith.muli %arg0, %mul3A_852 : i32
    %iota3A_854 = tpu.iota {dimensions = array<i32: 1>} : vector<16x256xi32>
    %add3A_855 = vector.broadcast %mul3A_853 : i32 to vector<16x256xi32>
    %add3A_856 = arith.addi %add3A_855, %iota3A_854 : vector<16x256xi32>
    %and3A_857 = arith.constant 4095 : i32
    %and3A_858 = vector.broadcast %and3A_857 : i32 to vector<16x256xi32>
    %and3A_859 = arith.andi %bitcast_convert_type3A_851, %and3A_858 : vector<16x256xi32>
    %mul3A_860 = arith.constant 128 : i32
    %mul3A_861 = vector.broadcast %mul3A_860 : i32 to vector<16x256xi32>
    %mul3A_862 = arith.muli %add3A_856, %mul3A_861 : vector<16x256xi32>
    %shift_right_arithmetic3A = arith.constant 8 : i32
    %shift_right_arithmetic3A_863 = vector.broadcast %shift_right_arithmetic3A : i32 to vector<16x256xi32>
    %shift_right_arithmetic3A_864 = arith.shrsi %and3A_859, %shift_right_arithmetic3A_863 : vector<16x256xi32>
    %mul3A_865 = arith.constant 524288 : i32
    %mul3A_866 = vector.broadcast %mul3A_865 : i32 to vector<16x256xi32>
    %mul3A_867 = arith.muli %shift_right_arithmetic3A_864, %mul3A_866 : vector<16x256xi32>
    %add3A_868 = arith.addi %mul3A_862, %mul3A_867 : vector<16x256xi32>
    %and3A_869 = arith.constant 127 : i32
    %and3A_870 = vector.broadcast %and3A_869 : i32 to vector<16x256xi32>
    %and3A_871 = arith.andi %and3A_859, %and3A_870 : vector<16x256xi32>
    %add3A_872 = arith.addi %add3A_868, %and3A_871 : vector<16x256xi32>
    %swap3A_873 = arith.constant 0 : index
    %swap3A_874 = arith.constant 0 : index
    %swap3A_875 = vector.load %arg3[%swap3A_873, %swap3A_874] : memref<16x256xi32, #tpu.memory_space<vmem>>, vector<16x256xi32>
    tpu.vector_store %arg3[%swap3A_873, %swap3A_874], %add3A_872 {strides = array<i32>} : memref<16x256xi32, #tpu.memory_space<vmem>>, vector<16x256xi32>,
    %shift_right_arithmetic3A_876 = arith.constant 7 : i32
    %shift_right_arithmetic3A_877 = vector.broadcast %shift_right_arithmetic3A_876 : i32 to vector<16x256xi32>
    %shift_right_arithmetic3A_878 = arith.shrsi %and3A_859, %shift_right_arithmetic3A_877 : vector<16x256xi32>
    %and3A_879 = arith.constant 1 : i32
    %and3A_880 = vector.broadcast %and3A_879 : i32 to vector<16x256xi32>
    %and3A_881 = arith.andi %shift_right_arithmetic3A_878, %and3A_880 : vector<16x256xi32>
    %swap3A_882 = arith.constant 0 : index
    %swap3A_883 = arith.constant 0 : index
    %swap3A_884 = vector.load %arg5[%swap3A_882, %swap3A_883] : memref<16x256xi32, #tpu.memory_space<vmem>>, vector<16x256xi32>
    tpu.vector_store %arg5[%swap3A_882, %swap3A_883], %and3A_881 {strides = array<i32>} : memref<16x256xi32, #tpu.memory_space<vmem>>, vector<16x256xi32>,
    %and3A_885 = arith.constant -4096 : i32
    %and3A_886 = vector.broadcast %and3A_885 : i32 to vector<16x256xi32>
    %and3A_887 = arith.andi %bitcast_convert_type3A_851, %and3A_886 : vector<16x256xi32>
    %bitcast_convert_type3A_888 = tpu.bitcast %and3A_887 : vector<16x256xi32> -> vector<16x256xf32>
    %swap3A_889 = arith.constant 0 : index
    %swap3A_890 = arith.constant 0 : index
    %swap3A_891 = vector.load %arg4[%swap3A_889, %swap3A_890] : memref<16x256xf32, #tpu.memory_space<vmem>>, vector<16x256xf32>
    tpu.vector_store %arg4[%swap3A_889, %swap3A_890], %bitcast_convert_type3A_888 {strides = array<i32>} : memref<16x256xf32, #tpu.memory_space<vmem>>, vector<16x256xf32>,
    return
  }
  func.func @transform_0(%arg0: i32) -> (i32, i32) {
    %c0_i32 = arith.constant 0 : i32
    %c0_i32_0 = arith.constant 0 : i32
    %c0_i32_1 = arith.constant 0 : i32
    return %c0_i32, %c0_i32_0 : i32, i32
  }
  func.func @transform_1(%arg0: i32) -> (i32, i32) {
    %c0_i32 = arith.constant 0 : i32
    %c0_i32_0 = arith.constant 0 : i32
    %c0_i32_1 = arith.constant 0 : i32
    return %c0_i32, %c0_i32_0 : i32, i32
  }
  func.func @transform_2(%arg0: i32) -> (i32, i32) {
    %c0_i32 = arith.constant 0 : i32
    %c0_i32_0 = arith.constant 0 : i32
    return %c0_i32, %arg0 : i32, i32
  }
  func.func @transform_3(%arg0: i32) -> (i32, i32) {
    %c0_i32 = arith.constant 0 : i32
    %c0_i32_0 = arith.constant 0 : i32
    return %c0_i32, %arg0 : i32, i32
  }
  func.func @transform_4(%arg0: i32) -> (i32, i32) {
    %c0_i32 = arith.constant 0 : i32
    %c0_i32_0 = arith.constant 0 : i32
    return %c0_i32, %arg0 : i32, i32
  }
  func.func @transform_5(%arg0: i32) -> (i32, i32, i32) {
    %c0_i32 = arith.constant 0 : i32
    %c0_i32_0 = arith.constant 0 : i32
    %c0_i32_1 = arith.constant 0 : i32
    return %c0_i32, %arg0, %c0_i32_0 : i32, i32, i32
  }
}

module attributes {stable_mosaic.version = 14 : i64} {
  func.func @_stage3_body(%arg0: memref<16x4096xf32, #tpu.memory_space<vmem>>, %arg1: memref<16x4096xi32, #tpu.memory_space<vmem>>, %arg2: memref<16x4096xi32, #tpu.memory_space<vmem>>, %arg3: memref<1x1x128xf32, #tpu.memory_space<vmem>>, %arg4: memref<1x1xf32, #tpu.memory_space<vmem>>) attributes {dimension_semantics = [], scalar_prefetch = 0 : i64, scratch_operands = 0 : i64, tpu.core_type = #tpu.core_type<tc>} {
    %get3A = arith.constant 0 : index
    %get3A_0 = arith.constant 0 : index
    %get3A_1 = vector.load %arg1[%get3A, %get3A_0] : memref<16x4096xi32, #tpu.memory_space<vmem>>, vector<16x4096xi32>
    %get3A_2 = arith.constant 0 : index
    %get3A_3 = arith.constant 0 : index
    %get3A_4 = vector.load %arg2[%get3A_2, %get3A_3] : memref<16x4096xi32, #tpu.memory_space<vmem>>, vector<16x4096xi32>
    %ne3A = arith.constant 0 : i32
    %ne3A_5 = vector.broadcast %ne3A : i32 to vector<16x4096xi32>
    %ne3A_6 = arith.cmpi ne, %get3A_4, %ne3A_5 : vector<16x4096xi32>
    %and3A = arith.constant -65536 : i32
    %and3A_7 = vector.broadcast %and3A : i32 to vector<16x4096xi32>
    %and3A_8 = arith.andi %get3A_1, %and3A_7 : vector<16x4096xi32>
    %shift_left3A = arith.constant 16 : i32
    %shift_left3A_9 = vector.broadcast %shift_left3A : i32 to vector<16x4096xi32>
    %shift_left3A_10 = arith.shli %get3A_1, %shift_left3A_9 : vector<16x4096xi32>
    %select_n3A = arith.select %ne3A_6, %and3A_8, %shift_left3A_10 : vector<16x4096xi1>, vector<16x4096xi32>
    %bitcast_convert_type3A = tpu.bitcast %select_n3A : vector<16x4096xi32> -> vector<16x4096xf32>
    %max3A = arith.constant 0.000000e+00 : f32
    %max3A_11 = vector.broadcast %max3A : f32 to vector<16x4096xf32>
    %max3A_12 = arith.maximumf %bitcast_convert_type3A, %max3A_11 : vector<16x4096xf32>
    %sqrt3A = math.sqrt %max3A_12 : vector<16x4096xf32>
    %get3A_13 = arith.constant 0 : index
    %get3A_14 = arith.constant 0 : index
    %get3A_15 = vector.load %arg0[%get3A_13, %get3A_14] : memref<16x4096xf32, #tpu.memory_space<vmem>>, vector<16x4096xf32>
    %max3A_16 = arith.constant 0.000000e+00 : f32
    %max3A_17 = vector.broadcast %max3A_16 : f32 to vector<16x4096xf32>
    %max3A_18 = arith.maximumf %get3A_15, %max3A_17 : vector<16x4096xf32>
    %sqrt3A_19 = math.sqrt %max3A_18 : vector<16x4096xf32>
    %reduce_max3A = arith.constant dense<0xFF800000> : vector<4096xf32>
    %reduce_max3A_20 = vector.multi_reduction <maximumf>, %sqrt3A_19, %reduce_max3A [0] : vector<16x4096xf32> to vector<4096xf32>
    %broadcast_in_dim3A = vector.shape_cast %reduce_max3A_20 : vector<4096xf32> to vector<1x4096xf32>
    %add3A = arith.constant 9.99999993E-9 : f32
    %add3A_21 = vector.broadcast %add3A : f32 to vector<1x4096xf32>
    %add3A_22 = arith.addf %broadcast_in_dim3A, %add3A_21 : vector<1x4096xf32>
    %div3A = vector.broadcast %add3A_22 : vector<1x4096xf32> to vector<16x4096xf32>
    %div3A_23 = arith.divf %sqrt3A_19, %div3A : vector<16x4096xf32>
    %reduce_max3A_24 = arith.constant dense<0xFF800000> : vector<4096xf32>
    %reduce_max3A_25 = vector.multi_reduction <maximumf>, %sqrt3A, %reduce_max3A_24 [0] : vector<16x4096xf32> to vector<4096xf32>
    %broadcast_in_dim3A_26 = vector.shape_cast %reduce_max3A_25 : vector<4096xf32> to vector<1x4096xf32>
    %add3A_27 = arith.constant 9.99999993E-9 : f32
    %add3A_28 = vector.broadcast %add3A_27 : f32 to vector<1x4096xf32>
    %add3A_29 = arith.addf %broadcast_in_dim3A_26, %add3A_28 : vector<1x4096xf32>
    %div3A_30 = vector.broadcast %add3A_29 : vector<1x4096xf32> to vector<16x4096xf32>
    %div3A_31 = arith.divf %sqrt3A, %div3A_30 : vector<16x4096xf32>
    %sub3A = arith.subf %div3A_23, %div3A_31 : vector<16x4096xf32>
    %abs3A = math.absf %sub3A : vector<16x4096xf32>
    %reduce_sum3A = vector.shape_cast %abs3A : vector<16x4096xf32> to vector<1x16x4096xf32>
    %reduce_sum3A_32 = arith.constant dense<0.000000e+00> : vector<1xf32>
    %reduce_sum3A_33 = vector.multi_reduction <add>, %reduce_sum3A, %reduce_sum3A_32 [1, 2] : vector<1x16x4096xf32> to vector<1xf32>
    %reduce_sum3A_34 = vector.shape_cast %reduce_sum3A_33 : vector<1xf32> to vector<1x1x1xf32>
    %reduce_sum3A_35 = vector.extract %reduce_sum3A_34[0, 0, 0] : f32 from vector<1x1x1xf32>
    %div3A_36 = arith.constant 6.553600e+04 : f32
    %div3A_37 = arith.divf %reduce_sum3A_35, %div3A_36 : f32
    %get3A_38 = arith.constant 0 : index
    %get3A_39 = arith.constant 0 : index
    %get3A_40 = arith.constant 0 : index
    %get3A_41 = vector.load %arg3[%get3A_38, %get3A_39, %get3A_40] : memref<1x1x128xf32, #tpu.memory_space<vmem>>, vector<1x1x1xf32>
    %get3A_42 = vector.extract %get3A_41[0, 0, 0] : f32 from vector<1x1x1xf32>
    %div3A_43 = arith.constant 0x49800000 : f32
    %div3A_44 = arith.divf %get3A_42, %div3A_43 : f32
    %add3A_45 = arith.addf %div3A_44, %div3A_37 : f32
    %broadcast_in_dim3A_46 = vector.broadcast %add3A_45 : f32 to vector<1x1xf32>
    %swap3A = arith.constant 0 : index
    %swap3A_47 = arith.constant 0 : index
    %swap3A_48 = vector.load %arg4[%swap3A, %swap3A_47] : memref<1x1xf32, #tpu.memory_space<vmem>>, vector<1x1xf32>
    tpu.vector_store %arg4[%swap3A, %swap3A_47], %broadcast_in_dim3A_46 {strides = array<i32>} : memref<1x1xf32, #tpu.memory_space<vmem>>, vector<1x1xf32>,
    return
  }
}

module attributes {stable_mosaic.version = 14 : i64} {
  func.func @_stage0_body(%arg0: memref<4096x256xf32, #tpu.memory_space<vmem>>, %arg1: memref<4096x256xf32, #tpu.memory_space<vmem>>, %arg2: memref<4096x260xbf16, #tpu.memory_space<vmem>>, %arg3: memref<4096x260xbf16, #tpu.memory_space<vmem>>, %arg4: memref<1x1x128xf32, #tpu.memory_space<vmem>>) attributes {dimension_semantics = [], scalar_prefetch = 0 : i64, scratch_operands = 0 : i64, tpu.core_type = #tpu.core_type<tc>} {
    %get3A = arith.constant 0 : index
    %get3A_0 = arith.constant 0 : index
    %get3A_1 = vector.load %arg0[%get3A, %get3A_0] : memref<4096x256xf32, #tpu.memory_space<vmem>>, vector<4096x256xf32>
    %mul3A = arith.mulf %get3A_1, %get3A_1 : vector<4096x256xf32>
    %reduce_sum3A = arith.constant dense<0.000000e+00> : vector<4096xf32>
    %reduce_sum3A_2 = vector.multi_reduction <add>, %mul3A, %reduce_sum3A [1] : vector<4096x256xf32> to vector<4096xf32>
    %broadcast_in_dim3A = vector.shape_cast %reduce_sum3A_2 : vector<4096xf32> to vector<4096x1xf32>
    %convert_element_type3A = arith.truncf %broadcast_in_dim3A : vector<4096x1xf32> to vector<4096x1xbf16>
    %convert_element_type3A_3 = arith.extf %convert_element_type3A : vector<4096x1xbf16> to vector<4096x1xf32>
    %sub3A = arith.subf %broadcast_in_dim3A, %convert_element_type3A_3 : vector<4096x1xf32>
    %convert_element_type3A_4 = arith.truncf %sub3A : vector<4096x1xf32> to vector<4096x1xbf16>
    %broadcast_in_dim3A_5 = arith.constant 1.000000e+00 : bf16
    %broadcast_in_dim3A_6 = vector.broadcast %broadcast_in_dim3A_5 : bf16 to vector<4096x1xbf16>
    %convert_element_type3A_7 = arith.truncf %get3A_1 : vector<4096x256xf32> to vector<4096x256xbf16>
    %concatenate3A = tpu.concatenate %convert_element_type3A_7, %broadcast_in_dim3A_6, %broadcast_in_dim3A_6, %convert_element_type3A, %convert_element_type3A_4 in 1 : vector<4096x256xbf16>, vector<4096x1xbf16>, vector<4096x1xbf16>, vector<4096x1xbf16>, vector<4096x1xbf16> -> vector<4096x260xbf16>
    %swap3A = arith.constant 0 : index
    %swap3A_8 = arith.constant 0 : index
    %swap3A_9 = vector.load %arg2[%swap3A, %swap3A_8] : memref<4096x260xbf16, #tpu.memory_space<vmem>>, vector<4096x260xbf16>
    tpu.vector_store %arg2[%swap3A, %swap3A_8], %concatenate3A {strides = array<i32>} : memref<4096x260xbf16, #tpu.memory_space<vmem>>, vector<4096x260xbf16>,
    %get3A_10 = arith.constant 0 : index
    %get3A_11 = arith.constant 0 : index
    %get3A_12 = vector.load %arg1[%get3A_10, %get3A_11] : memref<4096x256xf32, #tpu.memory_space<vmem>>, vector<4096x256xf32>
    %mul3A_13 = arith.mulf %get3A_12, %get3A_12 : vector<4096x256xf32>
    %reduce_sum3A_14 = arith.constant dense<0.000000e+00> : vector<4096xf32>
    %reduce_sum3A_15 = vector.multi_reduction <add>, %mul3A_13, %reduce_sum3A_14 [1] : vector<4096x256xf32> to vector<4096xf32>
    %broadcast_in_dim3A_16 = vector.shape_cast %reduce_sum3A_15 : vector<4096xf32> to vector<4096x1xf32>
    %convert_element_type3A_17 = arith.truncf %broadcast_in_dim3A_16 : vector<4096x1xf32> to vector<4096x1xbf16>
    %convert_element_type3A_18 = arith.extf %convert_element_type3A_17 : vector<4096x1xbf16> to vector<4096x1xf32>
    %sub3A_19 = arith.subf %broadcast_in_dim3A_16, %convert_element_type3A_18 : vector<4096x1xf32>
    %convert_element_type3A_20 = arith.truncf %sub3A_19 : vector<4096x1xf32> to vector<4096x1xbf16>
    %broadcast_in_dim3A_21 = arith.constant 1.000000e+00 : bf16
    %broadcast_in_dim3A_22 = vector.broadcast %broadcast_in_dim3A_21 : bf16 to vector<4096x1xbf16>
    %convert_element_type3A_23 = arith.truncf %get3A_12 : vector<4096x256xf32> to vector<4096x256xbf16>
    %concatenate3A_24 = tpu.concatenate %convert_element_type3A_23, %broadcast_in_dim3A_22, %broadcast_in_dim3A_22, %convert_element_type3A_17, %convert_element_type3A_20 in 1 : vector<4096x256xbf16>, vector<4096x1xbf16>, vector<4096x1xbf16>, vector<4096x1xbf16>, vector<4096x1xbf16> -> vector<4096x260xbf16>
    %swap3A_25 = arith.constant 0 : index
    %swap3A_26 = arith.constant 0 : index
    %swap3A_27 = vector.load %arg3[%swap3A_25, %swap3A_26] : memref<4096x260xbf16, #tpu.memory_space<vmem>>, vector<4096x260xbf16>
    tpu.vector_store %arg3[%swap3A_25, %swap3A_26], %concatenate3A_24 {strides = array<i32>} : memref<4096x260xbf16, #tpu.memory_space<vmem>>, vector<4096x260xbf16>,
    %get3A_28 = arith.constant 0 : index
    %get3A_29 = arith.constant 0 : index
    %get3A_30 = vector.load %arg1[%get3A_28, %get3A_29] : memref<4096x256xf32, #tpu.memory_space<vmem>>, vector<4096x256xf32>
    %get3A_31 = arith.constant 0 : index
    %get3A_32 = arith.constant 0 : index
    %get3A_33 = vector.load %arg0[%get3A_31, %get3A_32] : memref<4096x256xf32, #tpu.memory_space<vmem>>, vector<4096x256xf32>
    %sub3A_34 = arith.subf %get3A_30, %get3A_33 : vector<4096x256xf32>
    %mul3A_35 = arith.mulf %sub3A_34, %sub3A_34 : vector<4096x256xf32>
    %reduce_sum3A_36 = vector.shape_cast %mul3A_35 : vector<4096x256xf32> to vector<1x4096x256xf32>
    %reduce_sum3A_37 = arith.constant dense<0.000000e+00> : vector<1xf32>
    %reduce_sum3A_38 = vector.multi_reduction <add>, %reduce_sum3A_36, %reduce_sum3A_37 [1, 2] : vector<1x4096x256xf32> to vector<1xf32>
    %reduce_sum3A_39 = vector.shape_cast %reduce_sum3A_38 : vector<1xf32> to vector<1x1x1xf32>
    %reduce_sum3A_40 = vector.extract %reduce_sum3A_39[0, 0, 0] : f32 from vector<1x1x1xf32>
    %broadcast_in_dim3A_41 = vector.broadcast %reduce_sum3A_40 : f32 to vector<1x1x128xf32>
    %swap3A_42 = arith.constant 0 : index
    %swap3A_43 = arith.constant 0 : index
    %swap3A_44 = arith.constant 0 : index
    %swap3A_45 = vector.load %arg4[%swap3A_42, %swap3A_43, %swap3A_44] : memref<1x1x128xf32, #tpu.memory_space<vmem>>, vector<1x1x128xf32>
    tpu.vector_store %arg4[%swap3A_42, %swap3A_43, %swap3A_44], %broadcast_in_dim3A_41 {strides = array<i32>} : memref<1x1x128xf32, #tpu.memory_space<vmem>>, vector<1x1x128xf32>,
    return
  }
}

</mosaic_0001>

<sc_bundles>
// kernel: kernel.6.cloned.1.call-start
scs
__scs_entry_jumppad:
0x0: {  	(pc) =	sbr.rel $0x88, $3  }
0x1: {  	(tag) =	ssettag $0x0;
	lr =	simm.s32 $0x1  }
0x2: {  	[smem:$0x3F9F] =	sst lr;
	_ =	strace $0xD0000000  }
0x3: {  	_ = 	snop  }
0x4: {  	_ = 	snop  }
0x5: {  	_ = 	snop  }
0x6: {  	_ = 	snop  }
0x7: {  	_ = 	snop  }
__scs_overlays_trampoline_lowered:
0x8: {  	[smem:$0x3FAE] =	sst s0  }
0x9: {  	[smem:$0x3FAF] =	sst s1  }
0xa: {  	[smem:$0x3FB0] =	sst s2  }
0xb: {  	[smem:$0x3FB1] =	sst s3  }
0xc: {  	[smem:$0x3FB2] =	sst s4  }
0xd: {  	[smem:$0x3FB3] =	sst s5  }
0xe: {  	[smem:$0x3FB4] =	sst s6  }
0xf: {  	[smem:$0x3FB5] =	sst s7  }
0x10: {  	[smem:$0x3FB6] =	sst s8  }
0x11: {  	[smem:$0x3FB7] =	sst s9;
	s0 =	simm.s32 @!p0 $0x0  }
0x12: {  	s1 =	sld [smem:$0x3F9D];
	s0 =	simm.s32 @p0 $0x1  }
0x13: {  	[smem:$0x3FB8] =	sst s0;
	s0 =	simm.s32 @!p1 $0x0  }
0x14: {  	s2 =	sld [smem:$0x3F9C];
	s0 =	simm.s32 @p1 $0x1  }
0x15: {  	[smem:$0x3FB9] =	sst s0;
	s0 =	simm.s32 @!p2 $0x0  }
0x16: {  	s3 =	sld [smem:$0x3FDB];
	s0 =	simm.s32 @p2 $0x1  }
0x17: {  	s4 =	simm.s32 $0x1BF5;
	[smem:$0x3FBB] =	sst s0  }
0x18: {  	s0 =	sld [smem:$0x3F9E];
	_ =	swait.ge [sflag:s4], $0x0  }
0x19: {  	s7 =	sld [smem:$0x3F9F]  }
0x1a: {  	s8 =	sadd.s32 $0xFFFFE003, lr  }
0x1b: {  	s9 =	sadd.s32 $0xFFFFFEF7, lr;
	s5 =	simm.s32 $0xFFFFFFFF;
	p2 =	slt.u32 s8, $0xFFFFF086  }
0x1c: {  	p1 =	slt.u32 s9, $0xF7A;
	s5 =	simm.s32 @!p2 $0x0  }
0x1d: {  	s5 =	simm.s32 @p1 $0x1;
	p0 =	seq.s32 s7, s2  }
0x1e: {  	s7 =	smul.u32 @!p0 $0xF7A, s2;
	p2 =	seq.s32 @!p0 s5, $0x0  }
0x1f: {  	s9 =	smul.u32 $0xF7A, s1;
	s8 =	simm.s32 @!p0 $0x1BF5;
	p2 =	por !p2, p0  }
0x20: {  	[sflag:s8] =	ssyncset.s32 @!p0 $0xFFFFF086;
	s6 =	sadd.s32 @!p0 s3, s7;
	s7 =	simm.s32 @!p0 $0x108  }
0x21: {  	s3 =	sadd.s32 s3, s9;
	s6 =	sadd.s32 @!p0 $0x88, s6;
	s7 =	simm.s32 @p2 $0x1082  }
0x22: {  	[simem:s7], [sflag:s8] =	dma.local @!p0 [hbm:s6], $0xF7A  }
0x23: {  	s9 =	sor.u32 $0xD0000000, s2;
	s6 =	simm.s32 $0x108;
	_ =	swait.ge @!p0 [sflag:s8], $0x0  }
0x24: {  	s3 =	sadd.s32 $0x88, s3;
	s6 =	simm.s32 @!p1 $0x1082;
	[sflag:s4] =	ssyncset.s32 $0xFFFFF086  }
0x25: {  	[simem:s6], [sflag:s4] =	dma.local [hbm:s3], $0xF7A  }
0x26: {  	[smem:$0x3F9F] =	sst s1;
	(tag) =	ssettag s2;
	_ =	strace s9  }
0x27: {  	s1 =	sld [smem:$0x3FAF]  }
0x28: {  	s2 =	sld [smem:$0x3FB0]  }
0x29: {  	s4 =	sld [smem:$0x3FB2]  }
0x2a: {  	p0 =	seq.s32 s5, $0x0;
	s5 =	sld [smem:$0x3FB3]  }
0x2b: {  	s6 =	sld [smem:$0x3FB4]  }
0x2c: {  	s7 =	sld [smem:$0x3FB5]  }
0x2d: {  	s3 =	simm.s32 $0x108;
	s8 =	sld [smem:$0x3FB6]  }
0x2e: {  	s3 =	simm.s32 @!p0 $0x1082;
	s9 =	sld [smem:$0x3FB7]  }
0x2f: {  	lr =	sadd.s32 s0, s3;
	s0 =	sld [smem:$0x3FAE]  }
0x30: {  	s3 =	sld [smem:$0x3FB1]  }
0x31: {  	[smem:$0x3FBA] =	sst s10  }
0x32: {  	s10 =	sld [smem:$0x3FB8];
	_ =	sdelay $0x3  }
0x33: {  	p0 =	seq.s32 s10, $0x1;
	s10 =	sld [smem:$0x3FBA];
	_ =	sdelay $0x3  }
0x34: {  	[smem:$0x3FBA] =	sst s10  }
0x35: {  	s10 =	sld [smem:$0x3FB9];
	_ =	sdelay $0x3  }
0x36: {  	p1 =	seq.s32 s10, $0x1;
	s10 =	sld [smem:$0x3FBA];
	_ =	sdelay $0x3  }
0x37: {  	[smem:$0x3FBA] =	sst s10  }
0x38: {  	s10 =	sld [smem:$0x3FBB]  }
0x39: {  	_ = 	snop;
	(pc) =	sbr.ind lr, $3  }
0x3a: {  	_ = 	snop  }
0x3b: {  	_ = 	snop  }
0x3c: {  	p2 =	seq.s32 s10, $0x1;
	s10 =	sld [smem:$0x3FBA]  }
0x3d: {  	_ =	shalt  }
0x3e: {  	_ =	shalt  }
0x3f: {  	_ =	shalt  }
0x40: {  	_ =	shalt  }
0x41: {  	_ =	shalt  }
0x42: {  	_ =	shalt  }
0x43: {  	_ =	shalt  }
0x44: {  	_ =	shalt  }
0x45: {  	_ =	shalt  }
0x46: {  	_ =	shalt  }
0x47: {  	_ =	shalt  }
0x48: {  	_ =	shalt  }
0x49: {  	_ =	shalt  }
0x4a: {  	_ =	shalt  }
0x4b: {  	_ =	shalt  }
0x4c: {  	_ =	shalt  }
0x4d: {  	_ =	shalt  }
0x4e: {  	_ =	shalt  }
0x4f: {  	_ =	shalt  }
0x50: {  	_ =	shalt  }
0x51: {  	_ =	shalt  }
0x52: {  	_ =	shalt  }
0x53: {  	_ =	shalt  }
0x54: {  	_ =	shalt  }
0x55: {  	_ =	shalt  }
0x56: {  	_ =	shalt  }
0x57: {  	_ =	shalt  }
0x58: {  	_ =	shalt  }
0x59: {  	_ =	shalt  }
0x5a: {  	_ =	shalt  }
0x5b: {  	_ =	shalt  }
0x5c: {  	_ =	shalt  }
0x5d: {  	_ =	shalt  }
0x5e: {  	_ =	shalt  }
0x5f: {  	_ =	shalt  }
0x60: {  	_ =	shalt  }
0x61: {  	_ =	shalt  }
0x62: {  	_ =	shalt  }
0x63: {  	_ =	shalt  }
0x64: {  	_ =	shalt  }
0x65: {  	_ =	shalt  }
0x66: {  	_ =	shalt  }
0x67: {  	_ =	shalt  }
0x68: {  	_ =	shalt  }
0x69: {  	_ =	shalt  }
0x6a: {  	_ =	shalt  }
0x6b: {  	_ =	shalt  }
0x6c: {  	_ =	shalt  }
0x6d: {  	_ =	shalt  }
0x6e: {  	_ =	shalt  }
0x6f: {  	_ =	shalt  }
0x70: {  	_ =	shalt  }
0x71: {  	_ =	shalt  }
0x72: {  	_ =	shalt  }
0x73: {  	_ =	shalt  }
0x74: {  	_ =	shalt  }
0x75: {  	_ =	shalt  }
0x76: {  	_ =	shalt  }
0x77: {  	_ =	shalt  }
0x78: {  	_ =	shalt  }
0x79: {  	_ =	shalt  }
0x7a: {  	_ =	shalt  }
0x7b: {  	_ =	shalt  }
0x7c: {  	_ =	shalt  }
0x7d: {  	_ =	shalt  }
0x7e: {  	_ =	shalt  }
0x7f: {  	_ =	shalt  }
0x80: {  	_ =	shalt  }
0x81: {  	_ =	shalt  }
0x82: {  	_ =	shalt  }
0x83: {  	_ =	shalt  }
0x84: {  	_ =	shalt  }
0x85: {  	_ =	shalt  }
0x86: {  	_ =	shalt  }
0x87: {  	_ =	shalt  }
.Lfunc_end0:
.L_simem_size_0:
called_computation_lowered:
.L_overlay_start_0:
0x88: {  	s2 =	sld [smem:$0x3FD9]  }
0x89: {  	s3 =	sld [smem:$0x3FFE];
	_ =	sdelay $0x1  }
0x8a: {  	s1 =	srdreg.scid  }
0x8b: {  	s0 =	sand.u32 $0x1, s1  }
0x8c: {  	s16 =	sshll.u32 s0, $0xA;
	s2 =	sadd.s32 s3, s2  }
0x8d: {  	s2 =	sadd.s32 s2, s16  }
0x8e: {  	[smem:$0x3FC6] =	sst s2  }
0x8f: {  	_ = 	snop  }
0x90: {  	(tm) =	ssettm $0x1  }
0x91: {  	s17 =	sld [smem:$0x3FFB];
	_ =	sdelay $0x3  }
0x92: {  	_ =	strace s17  }
0x93: {  	s2 =	sld [smem:$0x3FFC];
	_ =	sdelay $0x3  }
0x94: {  	_ =	strace s2  }
0x95: {  	s2 =	sld [smem:$0x3FFD];
	_ =	sdelay $0x3  }
0x96: {  	_ =	strace s2  }
0x97: {  	_ =	strace $0x8FFFFFFF  }
0x98: {  	s18 =	sld [smem:$0x3FDB];
	_ =	sdelay $0x1  }
0x99: {  	s19 =	simm.s32 $_scs_section_size  }
0x9a: {  	s4 =	simm.s32 $_size__tile_overlayer_lowered;
	s5 =	simm.s32 $_tile_overlayer_lowered  }
0x9b: {  	s22 =	simm.s32 $0x1BFF;
	s21 =	sshll.u32 s5, $0x1;
	s2 =	sadd.s32 s19, s18  }
0x9c: {  	s6 =	simm.s32 $0x0;
	s20 =	sshll.u32 s4, $0x1;
	s4 =	sadd.s32 s21, s2  }
0x9d: {  	[timem:s6], [sflag:s22] =	dma.local [hbm:s4], s20  }
0x9e: {  	_ =	swait.ge [sflag:s22], s20  }
0x9f: {  	s3 =	ssub.s32 $0x0, s20;
	[sflag:s22] =	ssyncset.done $0x0  }
0xa0: {  	[sflag:s22] =	ssyncadd.s32 s3;
	_ =	sdelay $0x1  }
0xa1: {  	s23 =	simm.s32 $0x1B8B  }
0xa2: {  	_ =	swait.ge [sflag:s23], $0x1  }
0xa3: {  	[sflag:s23] =	ssyncset.done $0x0  }
0xa4: {  	s25 =	simm.s32 $0x1B8E;
	s24 =	sld [smem:$0x3FFE];
	[sflag:s23] =	ssyncadd.s32 $0xFFFFFFFF  }
0xa5: {  	s26 =	simm.s32 $execute0_lowered;
	[smem:$0x3FD2] =	sst s25  }
0xa6: {  	s4 =	sshll.u32 s26, $0x1;
	_ =	strace $0x80000046;
	[dreg:$0x1] =	wrdreg $0xFFFFFFFF  }
0xa7: {  	s28 =	simm.s32 $_size_execute0_lowered;
	s2 =	sadd.s32 s2, s4;
	[dreg:$0x0] =	wrdreg $0x0  }
0xa8: {  	s4 =	sshll.u32 s28, $0x1;
	[dreg:$0x2] =	wrdreg s2  }
0xa9: {  	[dreg:$0x3] =	wrdreg s4  }
0xaa: {  	[dreg:$0x4] =	wrdreg $0xC0  }
0xab: {  	_ =	task [dreg:s6], $0x5FFFF  }
0xac: {  	[dreg:$0x1] =	wrdreg $0xFFFFFFFF  }
0xad: {  	[dreg:$0x0] =	wrdreg $0x60  }
0xae: {  	[dreg:$0x2] =	wrdreg s24  }
0xaf: {  	[dreg:$0x3] =	wrdreg $0x9  }
0xb0: {  	_ =	task.clear_ibuf [dreg:s6], $0x4FFFF;
	_ =	strace $0x90000046  }
0xb1: {  	s29 =	simm.s32 $0x9;
	_ =	strace $0x80000048  }
0xb2: {  	_ =	swait.ge [sflag:s29], $0x1  }
0xb3: {  	[sflag:s29] =	ssyncadd.s32 $0xFFFFFFFF  }
0xb4: {  	_ =	strace $0x90000048  }
0xb5: {  	_ =	sfence  }
0xb6: {  	s30 =	sld [smem:$0x0];
	_ =	sdelay $0x2  }
0xb7: {  	s31 =	sshll.u32 s1, $0xD;
	s1 =	sshrl.u32 s1, $0x2  }
0xb8: {  	s3 =	sand.u32 $0x4000, s31;
	s1 =	sadd.s32 s1, s30  }
0xb9: {  	s0 =	sor.u32 s3, s0;
	s1 =	sshll.u32 s1, $0x11  }
0xba: {  	s0 =	sor.u32 s1, s0  }
0xbb: {  	s0 =	sadd.s32 $0x8F2B, s0  }
0xbc: {  	[sflag:s0] =	ssyncadd.remote.s32 $0x1  }
0xbd: {  	_ =	sfence.sel $0xFFFF  }
0xbe: {  	[dreg:$0x0] =	wrdreg $0xFFFFFFFF;
	(pc) =	sbr.abs _section_cstart, $3  }
0xbf: {  	[dreg:$0x1] =	wrdreg $0xFFFFFFFF  }
0xc0: {  	_ =	task.clear_ibuf [dreg:s6], $0x2FFFF;
	_ =	strace $0x9FFFFFFF  }
0xc1: {  	(tm) =	ssettm $0x7FFFFFFF  }
tec
execute0_lowered:
.L_overlay_start_1:
0x0: {  	(tag) =	ssettag $0x1  }
0x1: {  	s1 =	srdreg.scid  }
0x2: {  	s0 =	stileid.u32;
	s5 =	rddreg [dreg:$0x0];
	s6 =	sand.u32 $0x1, s1  }
0x3: {  	s2 =	simm.s32 $0x0;
	s3 =	sshll.u32 s0, $0x9;
	s4 =	sshll.u32 s6, $0x8  }
0x4: {  	[smem:$0x7FF] =	sst s2;
	s3 =	sor.u32 s4, s3  }
0x5: {  	s1 =	rddreg [dreg:$0x1];
	_ =	strace $0x80000047;
	s8 =	sadd.s32 s3, s5  }
0x6: {  	s9 =	ssub.s32 $0x2, s6;
	s3 =	simm.s32 $0x2;
	s4 =	sadd.s32 $0x100C00, s8  }
0x7: {  	[tilespmem:s2], [sflag:$0x2] =	stream.linear.gather [hbm4b:s4+s2], $0x800, $0x38;
	[tilespmem:$0x1000] =	vst v63  }
0x8: {  	s7 =	simm.s32 $0x1;
	s10 =	sshrl.u32 s9, $0x1;
	_ =	swait.ge [sflag:s3], $0x800  }
0x9: {  	s6 =	simm.s32 $0x800;
	s9 =	ssub.s32 s9, s10;
	[sflag:s3] =	ssyncset.done $0x0  }
0xa: {  	s5 =	sadd.s32 $0xC00, s5;
	s9 =	smax.u32 s9, $0x1;
	[sflag:s3] =	ssyncadd.s32 $0xFFFFF800  }
0xb: {  	[tilespmem:s6], [sflag:$0x1] =	stream.indirect.gather [hbm4b:s5+s6], $0x1, s2, s6, $0xb8;
	[tilespmem:$0x1000] =	vst v63  }
0xc: {  	p0 =	sne.s32 s9, $0x1;
	_ =	swait.ge [sflag:s7], $0x800  }
.Ltmp0:
0xd: {  	[sflag:s7] =	ssyncset.done $0x0;
	(pc) =	sbr.rel @!p0 .LBB2_2-.Ltmp0, $4  }
0xe: {  	s8 =	sadd.s32 $0x102C00, s8;
	[sflag:s7] =	ssyncadd.s32 $0xFFFFF800  }
0xf: {  	[hbm4b:s8+s2] =	stream.linear.scatter [tilespmem:s6], [sflag:$0x2], $0x800, $0x38;
	[tilespmem:$0x1000] =	vst v63  }
0x10: {  	_ =	swait.ge [sflag:s3], $0x800  }
0x11: {  	s9 =	sadd.s32 $0xFFFFFFFF, s9;
	[sflag:s3] =	ssyncset.done $0x0  }
.LBB2_1:
0x12: {  	p0 =	sne.s32 s9, $0x1;
	s9 =	sadd.s32 $0xFFFFFFFF, s9;
	[sflag:s3] =	ssyncadd.s32 $0xFFFFF800  }
0x13: {  	[tilespmem:s2], [sflag:$0x2] =	stream.linear.gather [hbm4b:s4+s2], $0x800, $0x38;
	[tilespmem:$0x1000] =	vst v63  }
0x14: {  	_ =	swait.ge [sflag:s3], $0x800  }
0x15: {  	[sflag:s3] =	ssyncset.done $0x0  }
0x16: {  	[sflag:s3] =	ssyncadd.s32 $0xFFFFF800  }
0x17: {  	[tilespmem:s6], [sflag:$0x1] =	stream.indirect.gather [hbm4b:s5+s6], $0x1, s2, s6, $0xb8;
	[tilespmem:$0x1000] =	vst v63  }
0x18: {  	_ =	swait.ge [sflag:s7], $0x800  }
.Ltmp1:
0x19: {  	[sflag:s7] =	ssyncset.done $0x0;
	(pc) =	sbr.rel @p0 .LBB2_1-.Ltmp1, $4  }
0x1a: {  	[sflag:s7] =	ssyncadd.s32 $0xFFFFF800  }
0x1b: {  	[hbm4b:s8+s2] =	stream.linear.scatter [tilespmem:s6], [sflag:$0x2], $0x800, $0x38;
	[tilespmem:$0x1000] =	vst v63  }
0x1c: {  	_ =	swait.ge [sflag:s3], $0x800  }
0x1d: {  	[sflag:s3] =	ssyncset.done $0x0  }
.LBB2_2:
0x1e: {  	[sflag:s3] =	ssyncadd.s32 $0xFFFFF800  }
0x1f: {  	_ =	sfence.sel $0x180000  }
0x20: {  	[bflag:$0x0] =	sbarrier.arrive $0xFFFF  }
0x21: {  	p0 =	sne.s32 s0, $0x0;
	_ =	strace $0x90000047  }
0x22: {  	s0 =	sadd.s32 @!p0 $0x100000, s1;
	[bflag:$0x2] =	sbarrier.arrive $0xFFFF  }
0x23: {  	[sflag:s0] =	ssyncadd.tile.s32 @!p0 $0x1;
	_ =	shalt  }
.Lfunc_end2:
_tile_overlayer_lowered:
.L_overlay_start_2:
0x24: {  	(tag) =	ssettag $0x2  }
0x25: {  	s0 =	rddreg [dreg:$0x0];
	s2 =	stileid.u32  }
0x26: {  	s1 =	rddreg [dreg:$0x1];
	p0 =	sne.s32 s2, $0x0  }
0x27: {  	s3 =	rddreg [dreg:$0x2];
	[bflag:$0x3] =	sbarrier.arrive $0xFFFF;
	s2 =	simm.s32 @!p0 $0x1C02  }
0x28: {  	[timem:s3], [sflag:s2] =	dma.local @!p0 [hbm:s0], s1  }
0x29: {  	s0 =	simm.s32 @!p0 $0x2  }
0x2a: {  	_ =	swait.ge @!p0 [sflag:s0], s1  }
0x2b: {  	s1 =	ssub.s32 @!p0 $0x0, s1;
	[sflag:s0] =	ssyncset.done @!p0 $0x0  }
0x2c: {  	[sflag:s0] =	ssyncadd.s32 @!p0 s1  }
0x2d: {  	[bflag:$0x3] =	sbarrier.arrive $0xFFFF  }
0x2e: {  	_ =	shalt  }

</sc_bundles>
